<compile_context>
chip_gen: v7x
topology: tpu7x:2x2x1
jax: 0.10.2.dev20260603
libtpu: 0.0.44.dev20260713+nightly
codegen_flags: <defaults>
</compile_context>

<pallas_src>
import functools

import jax
import jax.numpy as jnp
from jax import lax
from jax.experimental import pallas as pl
from jax.experimental.pallas import tpu as pltpu
from jax.experimental.pallas import tpu_sc as plsc

_BATCH = 16384
_N_NUM = 13
_N_EMB = 26
_EMB_DIM = 16
_N_OH = 13
_OH_CARD = 8

_NC = 2
_NS = 16
_NW = _NC * _NS
_BPW = _BATCH // _NW
_CHUNKS = _BPW // 16

_DROWS = 32
_TAB_SZ = _N_EMB * _DROWS * _EMB_DIM
_W_OFF = _TAB_SZ
_WEMB_OFF = _W_OFF + _N_NUM
_WOH_OFF = _W_OFF + _N_NUM + _N_EMB * _EMB_DIM
_BIAS_OFF = _W_OFF + 533
_TW_SZ = _TAB_SZ + 536



def _full(val):
    return jnp.full((16,), val, jnp.int32)


def _sc_body(num_hbm, idx_hbm, oh_hbm, tw_hbm, out_hbm,
             num_v, idx_v, oh_v, tw_v, d_v, out_v,
             sem_tw, sem_rest):
    wid = lax.axis_index("s") * _NC + lax.axis_index("c")
    base = wid * _BPW

    tw_cp = pltpu.async_copy(tw_hbm, tw_v, sem_tw)
    rest = [
        pltpu.async_copy(num_hbm.at[:, pl.ds(base, _BPW)], num_v, sem_rest),
        pltpu.async_copy(idx_hbm.at[:, pl.ds(base, _BPW)], idx_v, sem_rest),
        pltpu.async_copy(oh_hbm.at[:, pl.ds(base, _BPW)], oh_v, sem_rest),
    ]
    tw_cp.wait()

    viota = lax.broadcasted_iota(jnp.int32, (16,), 0)

    def d_field(i, carry):
        acc0 = jnp.zeros((16,), jnp.float32)
        acc1 = jnp.zeros((16,), jnp.float32)
        vrow = viota * _EMB_DIM
        for d in range(_EMB_DIM):
            w_sd = plsc.load_gather(tw_v, [_full(_WEMB_OFF + d) + i * _EMB_DIM])
            fbase = i * (_DROWS * _EMB_DIM) + d
            t0 = plsc.load_gather(tw_v, [vrow + fbase])
            t1 = plsc.load_gather(tw_v, [vrow + (fbase + 16 * _EMB_DIM)])
            acc0 = acc0 + t0 * w_sd
            acc1 = acc1 + t1 * w_sd
        d_v[pl.ds(i * _DROWS, 16)] = acc0
        d_v[pl.ds(i * _DROWS + 16, 16)] = acc1
        return carry

    lax.fori_loop(0, _N_EMB, d_field, 0)

    fcb = plsc.load_gather(tw_v, [_full(_BIAS_OFF)])
    wnum = [plsc.load_gather(tw_v, [_full(_W_OFF + j)]) for j in range(_N_NUM)]

    for cp in rest:
        cp.wait()

    def chunk(c, carry):
        cb = c * 16
        acc = fcb
        for j in range(_N_NUM):
            v = num_v[j, pl.ds(cb, 16)]
            acc = acc + v * wnum[j]
        for i in range(_N_EMB):
            iv = idx_v[i, pl.ds(cb, 16)]
            iv = jnp.clip(iv, 0, _N_EMB - 1)
            acc = acc + plsc.load_gather(d_v, [iv + i * _DROWS])
        for j in range(_N_OH):
            ov = oh_v[j, pl.ds(cb, 16)]
            ov = jnp.clip(ov, 0, _OH_CARD - 1)
            acc = acc + plsc.load_gather(tw_v, [ov + (_WOH_OFF + j * _OH_CARD)])
        out_v[pl.ds(cb, 16)] = acc
        return carry

    lax.fori_loop(0, _CHUNKS, chunk, 0)

    pltpu.sync_copy(out_v, out_hbm.at[pl.ds(base, _BPW)])


_sc_forward = functools.partial(
    pl.kernel,
    mesh=plsc.VectorSubcoreMesh(core_axis_name="c", subcore_axis_name="s"),
    out_type=jax.ShapeDtypeStruct((_BATCH,), jnp.float32),
    compiler_params=pltpu.CompilerParams(
        needs_layout_passes=False, use_tc_tiling_on_sc=False,
        disable_bounds_checks=True),
    scratch_types=[
        pltpu.VMEM((_N_NUM, _BPW), jnp.float32),
        pltpu.VMEM((_N_EMB, _BPW), jnp.int32),
        pltpu.VMEM((_N_OH, _BPW), jnp.int32),
        pltpu.VMEM((_TW_SZ,), jnp.float32),
        pltpu.VMEM((_N_EMB * _DROWS,), jnp.float32),
        pltpu.VMEM((_BPW,), jnp.float32),
        pltpu.SemaphoreType.DMA,
        pltpu.SemaphoreType.DMA,
    ],
)(_sc_body)


def kernel(num_features, cat_emb_features, cat_one_hot_features, emb_tables, fc_w, fc_b):
    numt = num_features.T
    idxt = cat_emb_features.astype(jnp.int32).T
    oht = cat_one_hot_features.astype(jnp.int32).T
    tw = jnp.concatenate([
        emb_tables[:, :_DROWS, :].reshape(-1),
        fc_w[:, 0],
        fc_b,
        jnp.zeros((_TW_SZ - _TAB_SZ - 534,), jnp.float32),
    ])
    out = _sc_forward(numt, idxt, oht, tw)
    return out.reshape(_BATCH, 1)

# --- scband reference (transcript-rebuilt; emitter-appended) ---
"""Pipeline reference for scband-dcnmodel-80015240724575 (READ-ONLY COPY).

The authoritative reference and input builder live on the scoring server;
editing this copy changes nothing except your own understanding.
"""

import jax, jax.numpy as jnp
import numpy as np

BATCH = 16384
N_NUM = 13
N_EMB_FIELDS = 26
VOCAB = 100000
EMB_DIM = 16
N_ONEHOT = 13
ONEHOT_CARD = 8
TOTAL_DIM = N_NUM + N_EMB_FIELDS * EMB_DIM + N_ONEHOT * ONEHOT_CARD


def setup_inputs(seed: int = 0) -> dict:
    key = jax.random.key(seed)
    k1, k2, k3, k4, k5 = jax.random.split(key, 5)
    num_features = jax.random.normal(k1, (BATCH, N_NUM), dtype=jnp.float32)
    cat_emb_features = jax.random.randint(k2, (BATCH, N_EMB_FIELDS), 0, VOCAB)
    cat_one_hot_features = jax.random.randint(k3, (BATCH, N_ONEHOT), 0, ONEHOT_CARD)
    # one embedding table per field, each with (cardinality + 1) rows as in nn.Embedding(num_categories + 1, embedding_dim)
    emb_tables = jax.random.normal(k4, (N_EMB_FIELDS, VOCAB + 1, EMB_DIM), dtype=jnp.float32) * 0.01
    fc_w = jax.random.normal(k5, (TOTAL_DIM, 1), dtype=jnp.float32) * 0.02
    fc_b = jnp.zeros((1,), dtype=jnp.float32)
    return {
        "num_features": num_features,
        "cat_emb_features": cat_emb_features,
        "cat_one_hot_features": cat_one_hot_features,
        "emb_tables": emb_tables,
        "fc_w": fc_w,
        "fc_b": fc_b,
    }


def reference(num_features, cat_emb_features, cat_one_hot_features, emb_tables, fc_w, fc_b):
    # Faithful to the torch code: indices are clamped to [0, len(self.embeddings)-1]
    # (note: the original clamps to the NUMBER OF FIELDS, reproduced here verbatim)
    idx = jnp.clip(cat_emb_features, 0, N_EMB_FIELDS - 1)
    embedded = jnp.concatenate(
        [jnp.take(emb_tables[i], idx[:, i], axis=0) for i in range(N_EMB_FIELDS)], axis=1
    )
    oh_idx = jnp.clip(cat_one_hot_features, 0, ONEHOT_CARD - 1)
    one_hot = jnp.concatenate(
        [jax.nn.one_hot(oh_idx[:, i], ONEHOT_CARD, dtype=jnp.float32) for i in range(N_ONEHOT)], axis=1
    )
    x = jnp.concatenate([num_features, embedded, one_hot], axis=1)
    out = x @ fc_w + fc_b
    return out

if __name__ == "__main__":
    import jax
    _d = setup_inputs()
    print(jax.jit(kernel)(*tuple(_d.values())))

</pallas_src>

<mosaic_0001>
#map = affine_map<(d0, d1) -> (0, 0)>
#map1 = affine_map<(d0, d1) -> (0)>
module attributes {stable_mosaic.version = 14 : i64} {
  func.func @_sc_body(%arg0: i32, %arg1: i32, %arg2: memref<13x16384xf32, #tpu.memory_space<hbm>>, %arg3: memref<26x16384xi32, #tpu.memory_space<hbm>>, %arg4: memref<13x16384xi32, #tpu.memory_space<hbm>>, %arg5: memref<13848xf32, #tpu.memory_space<hbm>>, %arg6: memref<16384xf32, #tpu.memory_space<hbm>>, %arg7: memref<13x512xf32, #tpu.memory_space<vmem>>, %arg8: memref<26x512xi32, #tpu.memory_space<vmem>>, %arg9: memref<13x512xi32, #tpu.memory_space<vmem>>, %arg10: memref<13848xf32, #tpu.memory_space<vmem>>, %arg11: memref<832xf32, #tpu.memory_space<vmem>>, %arg12: memref<512xf32, #tpu.memory_space<vmem>>, %arg13: memref<!tpu.dma_semaphore, #tpu.memory_space<semaphore_mem>>, %arg14: memref<!tpu.dma_semaphore, #tpu.memory_space<semaphore_mem>>) attributes {dimension_semantics = [#tpu.dimension_semantics<core_parallel>, #tpu.dimension_semantics<subcore_parallel>], iteration_bounds = array<i64: 2, 16>, scalar_prefetch = 0 : i64, scratch_operands = 8 : i64, tpu.core_type = #tpu.core_type<sc_vector_subcore>, window_params = [{transform_indices = #map}, {transform_indices = #map}, {transform_indices = #map}, {transform_indices = #map1}, {transform_indices = #map1}]} {
    %mul3A = arith.constant 2 : i32
    %mul3A_0 = arith.muli %arg1, %mul3A : i32
    %add3A = arith.addi %mul3A_0, %arg0 : i32
    %mul3A_1 = arith.constant 512 : i32
    %mul3A_2 = arith.muli %add3A, %mul3A_1 : i32
    tpu.enqueue_dma source(%arg5 : memref<13848xf32, #tpu.memory_space<hbm>>) target(%arg10 : memref<13848xf32, #tpu.memory_space<vmem>>) target_semaphore(%arg13 : memref<!tpu.dma_semaphore, #tpu.memory_space<semaphore_mem>>)
    %dma_start3A = arith.constant 0 : i32
    %dma_start3A_3 = tpu.memref_slice %arg2[%dma_start3A, %mul3A_2] : memref<13x16384xf32, #tpu.memory_space<hbm>> -> memref<13x512xf32, #tpu.memory_space<hbm>>
    %dma_start3A_4 = arith.constant 0 : i32
    %dma_start3A_5 = tpu.memref_slice %arg2[%dma_start3A_4, %mul3A_2] : memref<13x16384xf32, #tpu.memory_space<hbm>> -> memref<13x512xf32, #tpu.memory_space<hbm>>
    tpu.enqueue_dma source(%dma_start3A_5 : memref<13x512xf32, #tpu.memory_space<hbm>>) target(%arg7 : memref<13x512xf32, #tpu.memory_space<vmem>>) target_semaphore(%arg14 : memref<!tpu.dma_semaphore, #tpu.memory_space<semaphore_mem>>)
    %dma_start3A_6 = arith.constant 0 : i32
    %dma_start3A_7 = tpu.memref_slice %arg3[%dma_start3A_6, %mul3A_2] : memref<26x16384xi32, #tpu.memory_space<hbm>> -> memref<26x512xi32, #tpu.memory_space<hbm>>
    %dma_start3A_8 = arith.constant 0 : i32
    %dma_start3A_9 = tpu.memref_slice %arg3[%dma_start3A_8, %mul3A_2] : memref<26x16384xi32, #tpu.memory_space<hbm>> -> memref<26x512xi32, #tpu.memory_space<hbm>>
    tpu.enqueue_dma source(%dma_start3A_9 : memref<26x512xi32, #tpu.memory_space<hbm>>) target(%arg8 : memref<26x512xi32, #tpu.memory_space<vmem>>) target_semaphore(%arg14 : memref<!tpu.dma_semaphore, #tpu.memory_space<semaphore_mem>>)
    %dma_start3A_10 = arith.constant 0 : i32
    %dma_start3A_11 = tpu.memref_slice %arg4[%dma_start3A_10, %mul3A_2] : memref<13x16384xi32, #tpu.memory_space<hbm>> -> memref<13x512xi32, #tpu.memory_space<hbm>>
    %dma_start3A_12 = arith.constant 0 : i32
    %dma_start3A_13 = tpu.memref_slice %arg4[%dma_start3A_12, %mul3A_2] : memref<13x16384xi32, #tpu.memory_space<hbm>> -> memref<13x512xi32, #tpu.memory_space<hbm>>
    tpu.enqueue_dma source(%dma_start3A_13 : memref<13x512xi32, #tpu.memory_space<hbm>>) target(%arg9 : memref<13x512xi32, #tpu.memory_space<vmem>>) target_semaphore(%arg14 : memref<!tpu.dma_semaphore, #tpu.memory_space<semaphore_mem>>)
    tpu.wait_dma2 semaphore(%arg13 : memref<!tpu.dma_semaphore, #tpu.memory_space<semaphore_mem>>) src(%arg5 : memref<13848xf32, #tpu.memory_space<hbm>>) dst(%arg10 : memref<13848xf32, #tpu.memory_space<vmem>>)
    %iota3A = tpu.iota {dimensions = array<i32: 0>} : vector<16xi32>
    %scan3A = arith.constant 0 : i32
    %scan3A_14 = arith.constant 0 : i32
    %scan3A_15 = arith.constant 26 : i32
    %scan3A_16 = arith.addi %scan3A_14, %scan3A_15 : i32
    %scan3A_17 = arith.constant 1 : i32
    scf.for %scan3A_76 = %scan3A_14 to %scan3A_16 step %scan3A_17  : i32 {
      %broadcast_in_dim3A_77 = arith.constant 0.000000e+00 : f32
      %broadcast_in_dim3A_78 = vector.broadcast %broadcast_in_dim3A_77 : f32 to vector<16xf32>
      %broadcast_in_dim3A_79 = arith.constant 0.000000e+00 : f32
      %broadcast_in_dim3A_80 = vector.broadcast %broadcast_in_dim3A_79 : f32 to vector<16xf32>
      %mul3A_81 = arith.constant 16 : i32
      %mul3A_82 = vector.broadcast %mul3A_81 : i32 to vector<16xi32>
      %mul3A_83 = arith.muli %iota3A, %mul3A_82 : vector<16xi32>
      %broadcast_in_dim3A_84 = arith.constant 13325 : i32
      %broadcast_in_dim3A_85 = vector.broadcast %broadcast_in_dim3A_84 : i32 to vector<16xi32>
      %mul3A_86 = arith.constant 16 : i32
      %mul3A_87 = arith.muli %scan3A_76, %mul3A_86 : i32
      %add3A_88 = vector.broadcast %mul3A_87 : i32 to vector<16xi32>
      %add3A_89 = arith.addi %broadcast_in_dim3A_85, %add3A_88 : vector<16xi32>
      %gather3A_90 = tpu.vector_load_idx %arg10[%add3A_89] : memref<13848xf32, #tpu.memory_space<vmem>>[vector<16xi32>], vector<16xf32>,
      %mul3A_91 = arith.constant 512 : i32
      %mul3A_92 = arith.muli %scan3A_76, %mul3A_91 : i32
      %add3A_93 = arith.constant 0 : i32
      %add3A_94 = arith.addi %mul3A_92, %add3A_93 : i32
      %add3A_95 = vector.broadcast %add3A_94 : i32 to vector<16xi32>
      %add3A_96 = arith.addi %mul3A_83, %add3A_95 : vector<16xi32>
      %gather3A_97 = tpu.vector_load_idx %arg10[%add3A_96] : memref<13848xf32, #tpu.memory_space<vmem>>[vector<16xi32>], vector<16xf32>,
      %add3A_98 = arith.constant 256 : i32
      %add3A_99 = arith.addi %add3A_94, %add3A_98 : i32
      %add3A_100 = vector.broadcast %add3A_99 : i32 to vector<16xi32>
      %add3A_101 = arith.addi %mul3A_83, %add3A_100 : vector<16xi32>
      %gather3A_102 = tpu.vector_load_idx %arg10[%add3A_101] : memref<13848xf32, #tpu.memory_space<vmem>>[vector<16xi32>], vector<16xf32>,
      %mul3A_103 = arith.mulf %gather3A_97, %gather3A_90 : vector<16xf32>
      %add3A_104 = arith.addf %broadcast_in_dim3A_78, %mul3A_103 : vector<16xf32>
      %mul3A_105 = arith.mulf %gather3A_102, %gather3A_90 : vector<16xf32>
      %add3A_106 = arith.addf %broadcast_in_dim3A_80, %mul3A_105 : vector<16xf32>
      %broadcast_in_dim3A_107 = arith.constant 13326 : i32
      %broadcast_in_dim3A_108 = vector.broadcast %broadcast_in_dim3A_107 : i32 to vector<16xi32>
      %mul3A_109 = arith.constant 16 : i32
      %mul3A_110 = arith.muli %scan3A_76, %mul3A_109 : i32
      %add3A_111 = vector.broadcast %mul3A_110 : i32 to vector<16xi32>
      %add3A_112 = arith.addi %broadcast_in_dim3A_108, %add3A_111 : vector<16xi32>
      %gather3A_113 = tpu.vector_load_idx %arg10[%add3A_112] : memref<13848xf32, #tpu.memory_space<vmem>>[vector<16xi32>], vector<16xf32>,
      %mul3A_114 = arith.constant 512 : i32
      %mul3A_115 = arith.muli %scan3A_76, %mul3A_114 : i32
      %add3A_116 = arith.constant 1 : i32
      %add3A_117 = arith.addi %mul3A_115, %add3A_116 : i32
      %add3A_118 = vector.broadcast %add3A_117 : i32 to vector<16xi32>
      %add3A_119 = arith.addi %mul3A_83, %add3A_118 : vector<16xi32>
      %gather3A_120 = tpu.vector_load_idx %arg10[%add3A_119] : memref<13848xf32, #tpu.memory_space<vmem>>[vector<16xi32>], vector<16xf32>,
      %add3A_121 = arith.constant 256 : i32
      %add3A_122 = arith.addi %add3A_117, %add3A_121 : i32
      %add3A_123 = vector.broadcast %add3A_122 : i32 to vector<16xi32>
      %add3A_124 = arith.addi %mul3A_83, %add3A_123 : vector<16xi32>
      %gather3A_125 = tpu.vector_load_idx %arg10[%add3A_124] : memref<13848xf32, #tpu.memory_space<vmem>>[vector<16xi32>], vector<16xf32>,
      %mul3A_126 = arith.mulf %gather3A_120, %gather3A_113 : vector<16xf32>
      %add3A_127 = arith.addf %add3A_104, %mul3A_126 : vector<16xf32>
      %mul3A_128 = arith.mulf %gather3A_125, %gather3A_113 : vector<16xf32>
      %add3A_129 = arith.addf %add3A_106, %mul3A_128 : vector<16xf32>
      %broadcast_in_dim3A_130 = arith.constant 13327 : i32
      %broadcast_in_dim3A_131 = vector.broadcast %broadcast_in_dim3A_130 : i32 to vector<16xi32>
      %mul3A_132 = arith.constant 16 : i32
      %mul3A_133 = arith.muli %scan3A_76, %mul3A_132 : i32
      %add3A_134 = vector.broadcast %mul3A_133 : i32 to vector<16xi32>
      %add3A_135 = arith.addi %broadcast_in_dim3A_131, %add3A_134 : vector<16xi32>
      %gather3A_136 = tpu.vector_load_idx %arg10[%add3A_135] : memref<13848xf32, #tpu.memory_space<vmem>>[vector<16xi32>], vector<16xf32>,
      %mul3A_137 = arith.constant 512 : i32
      %mul3A_138 = arith.muli %scan3A_76, %mul3A_137 : i32
      %add3A_139 = arith.constant 2 : i32
      %add3A_140 = arith.addi %mul3A_138, %add3A_139 : i32
      %add3A_141 = vector.broadcast %add3A_140 : i32 to vector<16xi32>
      %add3A_142 = arith.addi %mul3A_83, %add3A_141 : vector<16xi32>
      %gather3A_143 = tpu.vector_load_idx %arg10[%add3A_142] : memref<13848xf32, #tpu.memory_space<vmem>>[vector<16xi32>], vector<16xf32>,
      %add3A_144 = arith.constant 256 : i32
      %add3A_145 = arith.addi %add3A_140, %add3A_144 : i32
      %add3A_146 = vector.broadcast %add3A_145 : i32 to vector<16xi32>
      %add3A_147 = arith.addi %mul3A_83, %add3A_146 : vector<16xi32>
      %gather3A_148 = tpu.vector_load_idx %arg10[%add3A_147] : memref<13848xf32, #tpu.memory_space<vmem>>[vector<16xi32>], vector<16xf32>,
      %mul3A_149 = arith.mulf %gather3A_143, %gather3A_136 : vector<16xf32>
      %add3A_150 = arith.addf %add3A_127, %mul3A_149 : vector<16xf32>
      %mul3A_151 = arith.mulf %gather3A_148, %gather3A_136 : vector<16xf32>
      %add3A_152 = arith.addf %add3A_129, %mul3A_151 : vector<16xf32>
      %broadcast_in_dim3A_153 = arith.constant 13328 : i32
      %broadcast_in_dim3A_154 = vector.broadcast %broadcast_in_dim3A_153 : i32 to vector<16xi32>
      %mul3A_155 = arith.constant 16 : i32
      %mul3A_156 = arith.muli %scan3A_76, %mul3A_155 : i32
      %add3A_157 = vector.broadcast %mul3A_156 : i32 to vector<16xi32>
      %add3A_158 = arith.addi %broadcast_in_dim3A_154, %add3A_157 : vector<16xi32>
      %gather3A_159 = tpu.vector_load_idx %arg10[%add3A_158] : memref<13848xf32, #tpu.memory_space<vmem>>[vector<16xi32>], vector<16xf32>,
      %mul3A_160 = arith.constant 512 : i32
      %mul3A_161 = arith.muli %scan3A_76, %mul3A_160 : i32
      %add3A_162 = arith.constant 3 : i32
      %add3A_163 = arith.addi %mul3A_161, %add3A_162 : i32
      %add3A_164 = vector.broadcast %add3A_163 : i32 to vector<16xi32>
      %add3A_165 = arith.addi %mul3A_83, %add3A_164 : vector<16xi32>
      %gather3A_166 = tpu.vector_load_idx %arg10[%add3A_165] : memref<13848xf32, #tpu.memory_space<vmem>>[vector<16xi32>], vector<16xf32>,
      %add3A_167 = arith.constant 256 : i32
      %add3A_168 = arith.addi %add3A_163, %add3A_167 : i32
      %add3A_169 = vector.broadcast %add3A_168 : i32 to vector<16xi32>
      %add3A_170 = arith.addi %mul3A_83, %add3A_169 : vector<16xi32>
      %gather3A_171 = tpu.vector_load_idx %arg10[%add3A_170] : memref<13848xf32, #tpu.memory_space<vmem>>[vector<16xi32>], vector<16xf32>,
      %mul3A_172 = arith.mulf %gather3A_166, %gather3A_159 : vector<16xf32>
      %add3A_173 = arith.addf %add3A_150, %mul3A_172 : vector<16xf32>
      %mul3A_174 = arith.mulf %gather3A_171, %gather3A_159 : vector<16xf32>
      %add3A_175 = arith.addf %add3A_152, %mul3A_174 : vector<16xf32>
      %broadcast_in_dim3A_176 = arith.constant 13329 : i32
      %broadcast_in_dim3A_177 = vector.broadcast %broadcast_in_dim3A_176 : i32 to vector<16xi32>
      %mul3A_178 = arith.constant 16 : i32
      %mul3A_179 = arith.muli %scan3A_76, %mul3A_178 : i32
      %add3A_180 = vector.broadcast %mul3A_179 : i32 to vector<16xi32>
      %add3A_181 = arith.addi %broadcast_in_dim3A_177, %add3A_180 : vector<16xi32>
      %gather3A_182 = tpu.vector_load_idx %arg10[%add3A_181] : memref<13848xf32, #tpu.memory_space<vmem>>[vector<16xi32>], vector<16xf32>,
      %mul3A_183 = arith.constant 512 : i32
      %mul3A_184 = arith.muli %scan3A_76, %mul3A_183 : i32
      %add3A_185 = arith.constant 4 : i32
      %add3A_186 = arith.addi %mul3A_184, %add3A_185 : i32
      %add3A_187 = vector.broadcast %add3A_186 : i32 to vector<16xi32>
      %add3A_188 = arith.addi %mul3A_83, %add3A_187 : vector<16xi32>
      %gather3A_189 = tpu.vector_load_idx %arg10[%add3A_188] : memref<13848xf32, #tpu.memory_space<vmem>>[vector<16xi32>], vector<16xf32>,
      %add3A_190 = arith.constant 256 : i32
      %add3A_191 = arith.addi %add3A_186, %add3A_190 : i32
      %add3A_192 = vector.broadcast %add3A_191 : i32 to vector<16xi32>
      %add3A_193 = arith.addi %mul3A_83, %add3A_192 : vector<16xi32>
      %gather3A_194 = tpu.vector_load_idx %arg10[%add3A_193] : memref<13848xf32, #tpu.memory_space<vmem>>[vector<16xi32>], vector<16xf32>,
      %mul3A_195 = arith.mulf %gather3A_189, %gather3A_182 : vector<16xf32>
      %add3A_196 = arith.addf %add3A_173, %mul3A_195 : vector<16xf32>
      %mul3A_197 = arith.mulf %gather3A_194, %gather3A_182 : vector<16xf32>
      %add3A_198 = arith.addf %add3A_175, %mul3A_197 : vector<16xf32>
      %broadcast_in_dim3A_199 = arith.constant 13330 : i32
      %broadcast_in_dim3A_200 = vector.broadcast %broadcast_in_dim3A_199 : i32 to vector<16xi32>
      %mul3A_201 = arith.constant 16 : i32
      %mul3A_202 = arith.muli %scan3A_76, %mul3A_201 : i32
      %add3A_203 = vector.broadcast %mul3A_202 : i32 to vector<16xi32>
      %add3A_204 = arith.addi %broadcast_in_dim3A_200, %add3A_203 : vector<16xi32>
      %gather3A_205 = tpu.vector_load_idx %arg10[%add3A_204] : memref<13848xf32, #tpu.memory_space<vmem>>[vector<16xi32>], vector<16xf32>,
      %mul3A_206 = arith.constant 512 : i32
      %mul3A_207 = arith.muli %scan3A_76, %mul3A_206 : i32
      %add3A_208 = arith.constant 5 : i32
      %add3A_209 = arith.addi %mul3A_207, %add3A_208 : i32
      %add3A_210 = vector.broadcast %add3A_209 : i32 to vector<16xi32>
      %add3A_211 = arith.addi %mul3A_83, %add3A_210 : vector<16xi32>
      %gather3A_212 = tpu.vector_load_idx %arg10[%add3A_211] : memref<13848xf32, #tpu.memory_space<vmem>>[vector<16xi32>], vector<16xf32>,
      %add3A_213 = arith.constant 256 : i32
      %add3A_214 = arith.addi %add3A_209, %add3A_213 : i32
      %add3A_215 = vector.broadcast %add3A_214 : i32 to vector<16xi32>
      %add3A_216 = arith.addi %mul3A_83, %add3A_215 : vector<16xi32>
      %gather3A_217 = tpu.vector_load_idx %arg10[%add3A_216] : memref<13848xf32, #tpu.memory_space<vmem>>[vector<16xi32>], vector<16xf32>,
      %mul3A_218 = arith.mulf %gather3A_212, %gather3A_205 : vector<16xf32>
      %add3A_219 = arith.addf %add3A_196, %mul3A_218 : vector<16xf32>
      %mul3A_220 = arith.mulf %gather3A_217, %gather3A_205 : vector<16xf32>
      %add3A_221 = arith.addf %add3A_198, %mul3A_220 : vector<16xf32>
      %broadcast_in_dim3A_222 = arith.constant 13331 : i32
      %broadcast_in_dim3A_223 = vector.broadcast %broadcast_in_dim3A_222 : i32 to vector<16xi32>
      %mul3A_224 = arith.constant 16 : i32
      %mul3A_225 = arith.muli %scan3A_76, %mul3A_224 : i32
      %add3A_226 = vector.broadcast %mul3A_225 : i32 to vector<16xi32>
      %add3A_227 = arith.addi %broadcast_in_dim3A_223, %add3A_226 : vector<16xi32>
      %gather3A_228 = tpu.vector_load_idx %arg10[%add3A_227] : memref<13848xf32, #tpu.memory_space<vmem>>[vector<16xi32>], vector<16xf32>,
      %mul3A_229 = arith.constant 512 : i32
      %mul3A_230 = arith.muli %scan3A_76, %mul3A_229 : i32
      %add3A_231 = arith.constant 6 : i32
      %add3A_232 = arith.addi %mul3A_230, %add3A_231 : i32
      %add3A_233 = vector.broadcast %add3A_232 : i32 to vector<16xi32>
      %add3A_234 = arith.addi %mul3A_83, %add3A_233 : vector<16xi32>
      %gather3A_235 = tpu.vector_load_idx %arg10[%add3A_234] : memref<13848xf32, #tpu.memory_space<vmem>>[vector<16xi32>], vector<16xf32>,
      %add3A_236 = arith.constant 256 : i32
      %add3A_237 = arith.addi %add3A_232, %add3A_236 : i32
      %add3A_238 = vector.broadcast %add3A_237 : i32 to vector<16xi32>
      %add3A_239 = arith.addi %mul3A_83, %add3A_238 : vector<16xi32>
      %gather3A_240 = tpu.vector_load_idx %arg10[%add3A_239] : memref<13848xf32, #tpu.memory_space<vmem>>[vector<16xi32>], vector<16xf32>,
      %mul3A_241 = arith.mulf %gather3A_235, %gather3A_228 : vector<16xf32>
      %add3A_242 = arith.addf %add3A_219, %mul3A_241 : vector<16xf32>
      %mul3A_243 = arith.mulf %gather3A_240, %gather3A_228 : vector<16xf32>
      %add3A_244 = arith.addf %add3A_221, %mul3A_243 : vector<16xf32>
      %broadcast_in_dim3A_245 = arith.constant 13332 : i32
      %broadcast_in_dim3A_246 = vector.broadcast %broadcast_in_dim3A_245 : i32 to vector<16xi32>
      %mul3A_247 = arith.constant 16 : i32
      %mul3A_248 = arith.muli %scan3A_76, %mul3A_247 : i32
      %add3A_249 = vector.broadcast %mul3A_248 : i32 to vector<16xi32>
      %add3A_250 = arith.addi %broadcast_in_dim3A_246, %add3A_249 : vector<16xi32>
      %gather3A_251 = tpu.vector_load_idx %arg10[%add3A_250] : memref<13848xf32, #tpu.memory_space<vmem>>[vector<16xi32>], vector<16xf32>,
      %mul3A_252 = arith.constant 512 : i32
      %mul3A_253 = arith.muli %scan3A_76, %mul3A_252 : i32
      %add3A_254 = arith.constant 7 : i32
      %add3A_255 = arith.addi %mul3A_253, %add3A_254 : i32
      %add3A_256 = vector.broadcast %add3A_255 : i32 to vector<16xi32>
      %add3A_257 = arith.addi %mul3A_83, %add3A_256 : vector<16xi32>
      %gather3A_258 = tpu.vector_load_idx %arg10[%add3A_257] : memref<13848xf32, #tpu.memory_space<vmem>>[vector<16xi32>], vector<16xf32>,
      %add3A_259 = arith.constant 256 : i32
      %add3A_260 = arith.addi %add3A_255, %add3A_259 : i32
      %add3A_261 = vector.broadcast %add3A_260 : i32 to vector<16xi32>
      %add3A_262 = arith.addi %mul3A_83, %add3A_261 : vector<16xi32>
      %gather3A_263 = tpu.vector_load_idx %arg10[%add3A_262] : memref<13848xf32, #tpu.memory_space<vmem>>[vector<16xi32>], vector<16xf32>,
      %mul3A_264 = arith.mulf %gather3A_258, %gather3A_251 : vector<16xf32>
      %add3A_265 = arith.addf %add3A_242, %mul3A_264 : vector<16xf32>
      %mul3A_266 = arith.mulf %gather3A_263, %gather3A_251 : vector<16xf32>
      %add3A_267 = arith.addf %add3A_244, %mul3A_266 : vector<16xf32>
      %broadcast_in_dim3A_268 = arith.constant 13333 : i32
      %broadcast_in_dim3A_269 = vector.broadcast %broadcast_in_dim3A_268 : i32 to vector<16xi32>
      %mul3A_270 = arith.constant 16 : i32
      %mul3A_271 = arith.muli %scan3A_76, %mul3A_270 : i32
      %add3A_272 = vector.broadcast %mul3A_271 : i32 to vector<16xi32>
      %add3A_273 = arith.addi %broadcast_in_dim3A_269, %add3A_272 : vector<16xi32>
      %gather3A_274 = tpu.vector_load_idx %arg10[%add3A_273] : memref<13848xf32, #tpu.memory_space<vmem>>[vector<16xi32>], vector<16xf32>,
      %mul3A_275 = arith.constant 512 : i32
      %mul3A_276 = arith.muli %scan3A_76, %mul3A_275 : i32
      %add3A_277 = arith.constant 8 : i32
      %add3A_278 = arith.addi %mul3A_276, %add3A_277 : i32
      %add3A_279 = vector.broadcast %add3A_278 : i32 to vector<16xi32>
      %add3A_280 = arith.addi %mul3A_83, %add3A_279 : vector<16xi32>
      %gather3A_281 = tpu.vector_load_idx %arg10[%add3A_280] : memref<13848xf32, #tpu.memory_space<vmem>>[vector<16xi32>], vector<16xf32>,
      %add3A_282 = arith.constant 256 : i32
      %add3A_283 = arith.addi %add3A_278, %add3A_282 : i32
      %add3A_284 = vector.broadcast %add3A_283 : i32 to vector<16xi32>
      %add3A_285 = arith.addi %mul3A_83, %add3A_284 : vector<16xi32>
      %gather3A_286 = tpu.vector_load_idx %arg10[%add3A_285] : memref<13848xf32, #tpu.memory_space<vmem>>[vector<16xi32>], vector<16xf32>,
      %mul3A_287 = arith.mulf %gather3A_281, %gather3A_274 : vector<16xf32>
      %add3A_288 = arith.addf %add3A_265, %mul3A_287 : vector<16xf32>
      %mul3A_289 = arith.mulf %gather3A_286, %gather3A_274 : vector<16xf32>
      %add3A_290 = arith.addf %add3A_267, %mul3A_289 : vector<16xf32>
      %broadcast_in_dim3A_291 = arith.constant 13334 : i32
      %broadcast_in_dim3A_292 = vector.broadcast %broadcast_in_dim3A_291 : i32 to vector<16xi32>
      %mul3A_293 = arith.constant 16 : i32
      %mul3A_294 = arith.muli %scan3A_76, %mul3A_293 : i32
      %add3A_295 = vector.broadcast %mul3A_294 : i32 to vector<16xi32>
      %add3A_296 = arith.addi %broadcast_in_dim3A_292, %add3A_295 : vector<16xi32>
      %gather3A_297 = tpu.vector_load_idx %arg10[%add3A_296] : memref<13848xf32, #tpu.memory_space<vmem>>[vector<16xi32>], vector<16xf32>,
      %mul3A_298 = arith.constant 512 : i32
      %mul3A_299 = arith.muli %scan3A_76, %mul3A_298 : i32
      %add3A_300 = arith.constant 9 : i32
      %add3A_301 = arith.addi %mul3A_299, %add3A_300 : i32
      %add3A_302 = vector.broadcast %add3A_301 : i32 to vector<16xi32>
      %add3A_303 = arith.addi %mul3A_83, %add3A_302 : vector<16xi32>
      %gather3A_304 = tpu.vector_load_idx %arg10[%add3A_303] : memref<13848xf32, #tpu.memory_space<vmem>>[vector<16xi32>], vector<16xf32>,
      %add3A_305 = arith.constant 256 : i32
      %add3A_306 = arith.addi %add3A_301, %add3A_305 : i32
      %add3A_307 = vector.broadcast %add3A_306 : i32 to vector<16xi32>
      %add3A_308 = arith.addi %mul3A_83, %add3A_307 : vector<16xi32>
      %gather3A_309 = tpu.vector_load_idx %arg10[%add3A_308] : memref<13848xf32, #tpu.memory_space<vmem>>[vector<16xi32>], vector<16xf32>,
      %mul3A_310 = arith.mulf %gather3A_304, %gather3A_297 : vector<16xf32>
      %add3A_311 = arith.addf %add3A_288, %mul3A_310 : vector<16xf32>
      %mul3A_312 = arith.mulf %gather3A_309, %gather3A_297 : vector<16xf32>
      %add3A_313 = arith.addf %add3A_290, %mul3A_312 : vector<16xf32>
      %broadcast_in_dim3A_314 = arith.constant 13335 : i32
      %broadcast_in_dim3A_315 = vector.broadcast %broadcast_in_dim3A_314 : i32 to vector<16xi32>
      %mul3A_316 = arith.constant 16 : i32
      %mul3A_317 = arith.muli %scan3A_76, %mul3A_316 : i32
      %add3A_318 = vector.broadcast %mul3A_317 : i32 to vector<16xi32>
      %add3A_319 = arith.addi %broadcast_in_dim3A_315, %add3A_318 : vector<16xi32>
      %gather3A_320 = tpu.vector_load_idx %arg10[%add3A_319] : memref<13848xf32, #tpu.memory_space<vmem>>[vector<16xi32>], vector<16xf32>,
      %mul3A_321 = arith.constant 512 : i32
      %mul3A_322 = arith.muli %scan3A_76, %mul3A_321 : i32
      %add3A_323 = arith.constant 10 : i32
      %add3A_324 = arith.addi %mul3A_322, %add3A_323 : i32
      %add3A_325 = vector.broadcast %add3A_324 : i32 to vector<16xi32>
      %add3A_326 = arith.addi %mul3A_83, %add3A_325 : vector<16xi32>
      %gather3A_327 = tpu.vector_load_idx %arg10[%add3A_326] : memref<13848xf32, #tpu.memory_space<vmem>>[vector<16xi32>], vector<16xf32>,
      %add3A_328 = arith.constant 256 : i32
      %add3A_329 = arith.addi %add3A_324, %add3A_328 : i32
      %add3A_330 = vector.broadcast %add3A_329 : i32 to vector<16xi32>
      %add3A_331 = arith.addi %mul3A_83, %add3A_330 : vector<16xi32>
      %gather3A_332 = tpu.vector_load_idx %arg10[%add3A_331] : memref<13848xf32, #tpu.memory_space<vmem>>[vector<16xi32>], vector<16xf32>,
      %mul3A_333 = arith.mulf %gather3A_327, %gather3A_320 : vector<16xf32>
      %add3A_334 = arith.addf %add3A_311, %mul3A_333 : vector<16xf32>
      %mul3A_335 = arith.mulf %gather3A_332, %gather3A_320 : vector<16xf32>
      %add3A_336 = arith.addf %add3A_313, %mul3A_335 : vector<16xf32>
      %broadcast_in_dim3A_337 = arith.constant 13336 : i32
      %broadcast_in_dim3A_338 = vector.broadcast %broadcast_in_dim3A_337 : i32 to vector<16xi32>
      %mul3A_339 = arith.constant 16 : i32
      %mul3A_340 = arith.muli %scan3A_76, %mul3A_339 : i32
      %add3A_341 = vector.broadcast %mul3A_340 : i32 to vector<16xi32>
      %add3A_342 = arith.addi %broadcast_in_dim3A_338, %add3A_341 : vector<16xi32>
      %gather3A_343 = tpu.vector_load_idx %arg10[%add3A_342] : memref<13848xf32, #tpu.memory_space<vmem>>[vector<16xi32>], vector<16xf32>,
      %mul3A_344 = arith.constant 512 : i32
      %mul3A_345 = arith.muli %scan3A_76, %mul3A_344 : i32
      %add3A_346 = arith.constant 11 : i32
      %add3A_347 = arith.addi %mul3A_345, %add3A_346 : i32
      %add3A_348 = vector.broadcast %add3A_347 : i32 to vector<16xi32>
      %add3A_349 = arith.addi %mul3A_83, %add3A_348 : vector<16xi32>
      %gather3A_350 = tpu.vector_load_idx %arg10[%add3A_349] : memref<13848xf32, #tpu.memory_space<vmem>>[vector<16xi32>], vector<16xf32>,
      %add3A_351 = arith.constant 256 : i32
      %add3A_352 = arith.addi %add3A_347, %add3A_351 : i32
      %add3A_353 = vector.broadcast %add3A_352 : i32 to vector<16xi32>
      %add3A_354 = arith.addi %mul3A_83, %add3A_353 : vector<16xi32>
      %gather3A_355 = tpu.vector_load_idx %arg10[%add3A_354] : memref<13848xf32, #tpu.memory_space<vmem>>[vector<16xi32>], vector<16xf32>,
      %mul3A_356 = arith.mulf %gather3A_350, %gather3A_343 : vector<16xf32>
      %add3A_357 = arith.addf %add3A_334, %mul3A_356 : vector<16xf32>
      %mul3A_358 = arith.mulf %gather3A_355, %gather3A_343 : vector<16xf32>
      %add3A_359 = arith.addf %add3A_336, %mul3A_358 : vector<16xf32>
      %broadcast_in_dim3A_360 = arith.constant 13337 : i32
      %broadcast_in_dim3A_361 = vector.broadcast %broadcast_in_dim3A_360 : i32 to vector<16xi32>
      %mul3A_362 = arith.constant 16 : i32
      %mul3A_363 = arith.muli %scan3A_76, %mul3A_362 : i32
      %add3A_364 = vector.broadcast %mul3A_363 : i32 to vector<16xi32>
      %add3A_365 = arith.addi %broadcast_in_dim3A_361, %add3A_364 : vector<16xi32>
      %gather3A_366 = tpu.vector_load_idx %arg10[%add3A_365] : memref<13848xf32, #tpu.memory_space<vmem>>[vector<16xi32>], vector<16xf32>,
      %mul3A_367 = arith.constant 512 : i32
      %mul3A_368 = arith.muli %scan3A_76, %mul3A_367 : i32
      %add3A_369 = arith.constant 12 : i32
      %add3A_370 = arith.addi %mul3A_368, %add3A_369 : i32
      %add3A_371 = vector.broadcast %add3A_370 : i32 to vector<16xi32>
      %add3A_372 = arith.addi %mul3A_83, %add3A_371 : vector<16xi32>
      %gather3A_373 = tpu.vector_load_idx %arg10[%add3A_372] : memref<13848xf32, #tpu.memory_space<vmem>>[vector<16xi32>], vector<16xf32>,
      %add3A_374 = arith.constant 256 : i32
      %add3A_375 = arith.addi %add3A_370, %add3A_374 : i32
      %add3A_376 = vector.broadcast %add3A_375 : i32 to vector<16xi32>
      %add3A_377 = arith.addi %mul3A_83, %add3A_376 : vector<16xi32>
      %gather3A_378 = tpu.vector_load_idx %arg10[%add3A_377] : memref<13848xf32, #tpu.memory_space<vmem>>[vector<16xi32>], vector<16xf32>,
      %mul3A_379 = arith.mulf %gather3A_373, %gather3A_366 : vector<16xf32>
      %add3A_380 = arith.addf %add3A_357, %mul3A_379 : vector<16xf32>
      %mul3A_381 = arith.mulf %gather3A_378, %gather3A_366 : vector<16xf32>
      %add3A_382 = arith.addf %add3A_359, %mul3A_381 : vector<16xf32>
      %broadcast_in_dim3A_383 = arith.constant 13338 : i32
      %broadcast_in_dim3A_384 = vector.broadcast %broadcast_in_dim3A_383 : i32 to vector<16xi32>
      %mul3A_385 = arith.constant 16 : i32
      %mul3A_386 = arith.muli %scan3A_76, %mul3A_385 : i32
      %add3A_387 = vector.broadcast %mul3A_386 : i32 to vector<16xi32>
      %add3A_388 = arith.addi %broadcast_in_dim3A_384, %add3A_387 : vector<16xi32>
      %gather3A_389 = tpu.vector_load_idx %arg10[%add3A_388] : memref<13848xf32, #tpu.memory_space<vmem>>[vector<16xi32>], vector<16xf32>,
      %mul3A_390 = arith.constant 512 : i32
      %mul3A_391 = arith.muli %scan3A_76, %mul3A_390 : i32
      %add3A_392 = arith.constant 13 : i32
      %add3A_393 = arith.addi %mul3A_391, %add3A_392 : i32
      %add3A_394 = vector.broadcast %add3A_393 : i32 to vector<16xi32>
      %add3A_395 = arith.addi %mul3A_83, %add3A_394 : vector<16xi32>
      %gather3A_396 = tpu.vector_load_idx %arg10[%add3A_395] : memref<13848xf32, #tpu.memory_space<vmem>>[vector<16xi32>], vector<16xf32>,
      %add3A_397 = arith.constant 256 : i32
      %add3A_398 = arith.addi %add3A_393, %add3A_397 : i32
      %add3A_399 = vector.broadcast %add3A_398 : i32 to vector<16xi32>
      %add3A_400 = arith.addi %mul3A_83, %add3A_399 : vector<16xi32>
      %gather3A_401 = tpu.vector_load_idx %arg10[%add3A_400] : memref<13848xf32, #tpu.memory_space<vmem>>[vector<16xi32>], vector<16xf32>,
      %mul3A_402 = arith.mulf %gather3A_396, %gather3A_389 : vector<16xf32>
      %add3A_403 = arith.addf %add3A_380, %mul3A_402 : vector<16xf32>
      %mul3A_404 = arith.mulf %gather3A_401, %gather3A_389 : vector<16xf32>
      %add3A_405 = arith.addf %add3A_382, %mul3A_404 : vector<16xf32>
      %broadcast_in_dim3A_406 = arith.constant 13339 : i32
      %broadcast_in_dim3A_407 = vector.broadcast %broadcast_in_dim3A_406 : i32 to vector<16xi32>
      %mul3A_408 = arith.constant 16 : i32
      %mul3A_409 = arith.muli %scan3A_76, %mul3A_408 : i32
      %add3A_410 = vector.broadcast %mul3A_409 : i32 to vector<16xi32>
      %add3A_411 = arith.addi %broadcast_in_dim3A_407, %add3A_410 : vector<16xi32>
      %gather3A_412 = tpu.vector_load_idx %arg10[%add3A_411] : memref<13848xf32, #tpu.memory_space<vmem>>[vector<16xi32>], vector<16xf32>,
      %mul3A_413 = arith.constant 512 : i32
      %mul3A_414 = arith.muli %scan3A_76, %mul3A_413 : i32
      %add3A_415 = arith.constant 14 : i32
      %add3A_416 = arith.addi %mul3A_414, %add3A_415 : i32
      %add3A_417 = vector.broadcast %add3A_416 : i32 to vector<16xi32>
      %add3A_418 = arith.addi %mul3A_83, %add3A_417 : vector<16xi32>
      %gather3A_419 = tpu.vector_load_idx %arg10[%add3A_418] : memref<13848xf32, #tpu.memory_space<vmem>>[vector<16xi32>], vector<16xf32>,
      %add3A_420 = arith.constant 256 : i32
      %add3A_421 = arith.addi %add3A_416, %add3A_420 : i32
      %add3A_422 = vector.broadcast %add3A_421 : i32 to vector<16xi32>
      %add3A_423 = arith.addi %mul3A_83, %add3A_422 : vector<16xi32>
      %gather3A_424 = tpu.vector_load_idx %arg10[%add3A_423] : memref<13848xf32, #tpu.memory_space<vmem>>[vector<16xi32>], vector<16xf32>,
      %mul3A_425 = arith.mulf %gather3A_419, %gather3A_412 : vector<16xf32>
      %add3A_426 = arith.addf %add3A_403, %mul3A_425 : vector<16xf32>
      %mul3A_427 = arith.mulf %gather3A_424, %gather3A_412 : vector<16xf32>
      %add3A_428 = arith.addf %add3A_405, %mul3A_427 : vector<16xf32>
      %broadcast_in_dim3A_429 = arith.constant 13340 : i32
      %broadcast_in_dim3A_430 = vector.broadcast %broadcast_in_dim3A_429 : i32 to vector<16xi32>
      %mul3A_431 = arith.constant 16 : i32
      %mul3A_432 = arith.muli %scan3A_76, %mul3A_431 : i32
      %add3A_433 = vector.broadcast %mul3A_432 : i32 to vector<16xi32>
      %add3A_434 = arith.addi %broadcast_in_dim3A_430, %add3A_433 : vector<16xi32>
      %gather3A_435 = tpu.vector_load_idx %arg10[%add3A_434] : memref<13848xf32, #tpu.memory_space<vmem>>[vector<16xi32>], vector<16xf32>,
      %mul3A_436 = arith.constant 512 : i32
      %mul3A_437 = arith.muli %scan3A_76, %mul3A_436 : i32
      %add3A_438 = arith.constant 15 : i32
      %add3A_439 = arith.addi %mul3A_437, %add3A_438 : i32
      %add3A_440 = vector.broadcast %add3A_439 : i32 to vector<16xi32>
      %add3A_441 = arith.addi %mul3A_83, %add3A_440 : vector<16xi32>
      %gather3A_442 = tpu.vector_load_idx %arg10[%add3A_441] : memref<13848xf32, #tpu.memory_space<vmem>>[vector<16xi32>], vector<16xf32>,
      %add3A_443 = arith.constant 256 : i32
      %add3A_444 = arith.addi %add3A_439, %add3A_443 : i32
      %add3A_445 = vector.broadcast %add3A_444 : i32 to vector<16xi32>
      %add3A_446 = arith.addi %mul3A_83, %add3A_445 : vector<16xi32>
      %gather3A_447 = tpu.vector_load_idx %arg10[%add3A_446] : memref<13848xf32, #tpu.memory_space<vmem>>[vector<16xi32>], vector<16xf32>,
      %mul3A_448 = arith.mulf %gather3A_442, %gather3A_435 : vector<16xf32>
      %add3A_449 = arith.addf %add3A_426, %mul3A_448 : vector<16xf32>
      %mul3A_450 = arith.mulf %gather3A_447, %gather3A_435 : vector<16xf32>
      %add3A_451 = arith.addf %add3A_428, %mul3A_450 : vector<16xf32>
      %mul3A_452 = arith.constant 32 : i32
      %mul3A_453 = arith.muli %scan3A_76, %mul3A_452 : i32
      %swap3A = arith.index_cast %mul3A_453 : i32 to index
      %swap3A_454 = tpu.vector_load %arg11[%swap3A] {strides = array<i32>} : memref<832xf32, #tpu.memory_space<vmem>>, vector<16xf32>,
      tpu.vector_store %arg11[%swap3A], %add3A_449 {strides = array<i32>} : memref<832xf32, #tpu.memory_space<vmem>>, vector<16xf32>,
      %mul3A_455 = arith.constant 32 : i32
      %mul3A_456 = arith.muli %scan3A_76, %mul3A_455 : i32
      %add3A_457 = arith.constant 16 : i32
      %add3A_458 = arith.addi %mul3A_456, %add3A_457 : i32
      %swap3A_459 = arith.index_cast %add3A_458 : i32 to index
      %swap3A_460 = tpu.vector_load %arg11[%swap3A_459] {strides = array<i32>} : memref<832xf32, #tpu.memory_space<vmem>>, vector<16xf32>,
      tpu.vector_store %arg11[%swap3A_459], %add3A_451 {strides = array<i32>} : memref<832xf32, #tpu.memory_space<vmem>>, vector<16xf32>,
    }
    %scan3A_18 = arith.constant 26 : i32
    %broadcast_in_dim3A = arith.constant 13845 : i32
    %broadcast_in_dim3A_19 = vector.broadcast %broadcast_in_dim3A : i32 to vector<16xi32>
    %gather3A = tpu.vector_load_idx %arg10[%broadcast_in_dim3A_19] : memref<13848xf32, #tpu.memory_space<vmem>>[vector<16xi32>], vector<16xf32>,
    %broadcast_in_dim3A_20 = arith.constant 13312 : i32
    %broadcast_in_dim3A_21 = vector.broadcast %broadcast_in_dim3A_20 : i32 to vector<16xi32>
    %gather3A_22 = tpu.vector_load_idx %arg10[%broadcast_in_dim3A_21] : memref<13848xf32, #tpu.memory_space<vmem>>[vector<16xi32>], vector<16xf32>,
    %broadcast_in_dim3A_23 = arith.constant 13313 : i32
    %broadcast_in_dim3A_24 = vector.broadcast %broadcast_in_dim3A_23 : i32 to vector<16xi32>
    %gather3A_25 = tpu.vector_load_idx %arg10[%broadcast_in_dim3A_24] : memref<13848xf32, #tpu.memory_space<vmem>>[vector<16xi32>], vector<16xf32>,
    %broadcast_in_dim3A_26 = arith.constant 13314 : i32
    %broadcast_in_dim3A_27 = vector.broadcast %broadcast_in_dim3A_26 : i32 to vector<16xi32>
    %gather3A_28 = tpu.vector_load_idx %arg10[%broadcast_in_dim3A_27] : memref<13848xf32, #tpu.memory_space<vmem>>[vector<16xi32>], vector<16xf32>,
    %broadcast_in_dim3A_29 = arith.constant 13315 : i32
    %broadcast_in_dim3A_30 = vector.broadcast %broadcast_in_dim3A_29 : i32 to vector<16xi32>
    %gather3A_31 = tpu.vector_load_idx %arg10[%broadcast_in_dim3A_30] : memref<13848xf32, #tpu.memory_space<vmem>>[vector<16xi32>], vector<16xf32>,
    %broadcast_in_dim3A_32 = arith.constant 13316 : i32
    %broadcast_in_dim3A_33 = vector.broadcast %broadcast_in_dim3A_32 : i32 to vector<16xi32>
    %gather3A_34 = tpu.vector_load_idx %arg10[%broadcast_in_dim3A_33] : memref<13848xf32, #tpu.memory_space<vmem>>[vector<16xi32>], vector<16xf32>,
    %broadcast_in_dim3A_35 = arith.constant 13317 : i32
    %broadcast_in_dim3A_36 = vector.broadcast %broadcast_in_dim3A_35 : i32 to vector<16xi32>
    %gather3A_37 = tpu.vector_load_idx %arg10[%broadcast_in_dim3A_36] : memref<13848xf32, #tpu.memory_space<vmem>>[vector<16xi32>], vector<16xf32>,
    %broadcast_in_dim3A_38 = arith.constant 13318 : i32
    %broadcast_in_dim3A_39 = vector.broadcast %broadcast_in_dim3A_38 : i32 to vector<16xi32>
    %gather3A_40 = tpu.vector_load_idx %arg10[%broadcast_in_dim3A_39] : memref<13848xf32, #tpu.memory_space<vmem>>[vector<16xi32>], vector<16xf32>,
    %broadcast_in_dim3A_41 = arith.constant 13319 : i32
    %broadcast_in_dim3A_42 = vector.broadcast %broadcast_in_dim3A_41 : i32 to vector<16xi32>
    %gather3A_43 = tpu.vector_load_idx %arg10[%broadcast_in_dim3A_42] : memref<13848xf32, #tpu.memory_space<vmem>>[vector<16xi32>], vector<16xf32>,
    %broadcast_in_dim3A_44 = arith.constant 13320 : i32
    %broadcast_in_dim3A_45 = vector.broadcast %broadcast_in_dim3A_44 : i32 to vector<16xi32>
    %gather3A_46 = tpu.vector_load_idx %arg10[%broadcast_in_dim3A_45] : memref<13848xf32, #tpu.memory_space<vmem>>[vector<16xi32>], vector<16xf32>,
    %broadcast_in_dim3A_47 = arith.constant 13321 : i32
    %broadcast_in_dim3A_48 = vector.broadcast %broadcast_in_dim3A_47 : i32 to vector<16xi32>
    %gather3A_49 = tpu.vector_load_idx %arg10[%broadcast_in_dim3A_48] : memref<13848xf32, #tpu.memory_space<vmem>>[vector<16xi32>], vector<16xf32>,
    %broadcast_in_dim3A_50 = arith.constant 13322 : i32
    %broadcast_in_dim3A_51 = vector.broadcast %broadcast_in_dim3A_50 : i32 to vector<16xi32>
    %gather3A_52 = tpu.vector_load_idx %arg10[%broadcast_in_dim3A_51] : memref<13848xf32, #tpu.memory_space<vmem>>[vector<16xi32>], vector<16xf32>,
    %broadcast_in_dim3A_53 = arith.constant 13323 : i32
    %broadcast_in_dim3A_54 = vector.broadcast %broadcast_in_dim3A_53 : i32 to vector<16xi32>
    %gather3A_55 = tpu.vector_load_idx %arg10[%broadcast_in_dim3A_54] : memref<13848xf32, #tpu.memory_space<vmem>>[vector<16xi32>], vector<16xf32>,
    %broadcast_in_dim3A_56 = arith.constant 13324 : i32
    %broadcast_in_dim3A_57 = vector.broadcast %broadcast_in_dim3A_56 : i32 to vector<16xi32>
    %gather3A_58 = tpu.vector_load_idx %arg10[%broadcast_in_dim3A_57] : memref<13848xf32, #tpu.memory_space<vmem>>[vector<16xi32>], vector<16xf32>,
    %dma_wait3A = arith.constant 0 : i32
    %dma_wait3A_59 = tpu.memref_slice %arg2[%dma_wait3A, %mul3A_2] : memref<13x16384xf32, #tpu.memory_space<hbm>> -> memref<13x512xf32, #tpu.memory_space<hbm>>
    %dma_wait3A_60 = arith.constant 0 : i32
    %dma_wait3A_61 = tpu.memref_slice %arg2[%dma_wait3A_60, %mul3A_2] : memref<13x16384xf32, #tpu.memory_space<hbm>> -> memref<13x512xf32, #tpu.memory_space<hbm>>
    tpu.wait_dma2 semaphore(%arg14 : memref<!tpu.dma_semaphore, #tpu.memory_space<semaphore_mem>>) src(%dma_wait3A_61 : memref<13x512xf32, #tpu.memory_space<hbm>>) dst(%arg7 : memref<13x512xf32, #tpu.memory_space<vmem>>)
    %dma_wait3A_62 = arith.constant 0 : i32
    %dma_wait3A_63 = tpu.memref_slice %arg3[%dma_wait3A_62, %mul3A_2] : memref<26x16384xi32, #tpu.memory_space<hbm>> -> memref<26x512xi32, #tpu.memory_space<hbm>>
    %dma_wait3A_64 = arith.constant 0 : i32
    %dma_wait3A_65 = tpu.memref_slice %arg3[%dma_wait3A_64, %mul3A_2] : memref<26x16384xi32, #tpu.memory_space<hbm>> -> memref<26x512xi32, #tpu.memory_space<hbm>>
    tpu.wait_dma2 semaphore(%arg14 : memref<!tpu.dma_semaphore, #tpu.memory_space<semaphore_mem>>) src(%dma_wait3A_65 : memref<26x512xi32, #tpu.memory_space<hbm>>) dst(%arg8 : memref<26x512xi32, #tpu.memory_space<vmem>>)
    %dma_wait3A_66 = arith.constant 0 : i32
    %dma_wait3A_67 = tpu.memref_slice %arg4[%dma_wait3A_66, %mul3A_2] : memref<13x16384xi32, #tpu.memory_space<hbm>> -> memref<13x512xi32, #tpu.memory_space<hbm>>
    %dma_wait3A_68 = arith.constant 0 : i32
    %dma_wait3A_69 = tpu.memref_slice %arg4[%dma_wait3A_68, %mul3A_2] : memref<13x16384xi32, #tpu.memory_space<hbm>> -> memref<13x512xi32, #tpu.memory_space<hbm>>
    tpu.wait_dma2 semaphore(%arg14 : memref<!tpu.dma_semaphore, #tpu.memory_space<semaphore_mem>>) src(%dma_wait3A_69 : memref<13x512xi32, #tpu.memory_space<hbm>>) dst(%arg9 : memref<13x512xi32, #tpu.memory_space<vmem>>)
    %scan3A_70 = arith.constant 0 : i32
    %scan3A_71 = arith.constant 0 : i32
    %scan3A_72 = arith.constant 32 : i32
    %scan3A_73 = arith.addi %scan3A_71, %scan3A_72 : i32
    %scan3A_74 = arith.constant 1 : i32
    scf.for %scan3A_76 = %scan3A_71 to %scan3A_73 step %scan3A_74  : i32 {
      %mul3A_77 = arith.constant 16 : i32
      %mul3A_78 = arith.muli %scan3A_76, %mul3A_77 : i32
      %get3A = arith.constant 0 : i32
      %get3A_79 = arith.index_cast %get3A : i32 to index
      %get3A_80 = arith.index_cast %mul3A_78 : i32 to index
      %get3A_81 = tpu.vector_load %arg7[%get3A_79, %get3A_80] {strides = array<i32>} : memref<13x512xf32, #tpu.memory_space<vmem>>, vector<16xf32>,
      %mul3A_82 = arith.mulf %get3A_81, %gather3A_22 : vector<16xf32>
      %add3A_83 = arith.addf %gather3A, %mul3A_82 : vector<16xf32>
      %get3A_84 = arith.constant 1 : i32
      %get3A_85 = arith.index_cast %get3A_84 : i32 to index
      %get3A_86 = arith.index_cast %mul3A_78 : i32 to index
      %get3A_87 = tpu.vector_load %arg7[%get3A_85, %get3A_86] {strides = array<i32>} : memref<13x512xf32, #tpu.memory_space<vmem>>, vector<16xf32>,
      %mul3A_88 = arith.mulf %get3A_87, %gather3A_25 : vector<16xf32>
      %add3A_89 = arith.addf %add3A_83, %mul3A_88 : vector<16xf32>
      %get3A_90 = arith.constant 2 : i32
      %get3A_91 = arith.index_cast %get3A_90 : i32 to index
      %get3A_92 = arith.index_cast %mul3A_78 : i32 to index
      %get3A_93 = tpu.vector_load %arg7[%get3A_91, %get3A_92] {strides = array<i32>} : memref<13x512xf32, #tpu.memory_space<vmem>>, vector<16xf32>,
      %mul3A_94 = arith.mulf %get3A_93, %gather3A_28 : vector<16xf32>
      %add3A_95 = arith.addf %add3A_89, %mul3A_94 : vector<16xf32>
      %get3A_96 = arith.constant 3 : i32
      %get3A_97 = arith.index_cast %get3A_96 : i32 to index
      %get3A_98 = arith.index_cast %mul3A_78 : i32 to index
      %get3A_99 = tpu.vector_load %arg7[%get3A_97, %get3A_98] {strides = array<i32>} : memref<13x512xf32, #tpu.memory_space<vmem>>, vector<16xf32>,
      %mul3A_100 = arith.mulf %get3A_99, %gather3A_31 : vector<16xf32>
      %add3A_101 = arith.addf %add3A_95, %mul3A_100 : vector<16xf32>
      %get3A_102 = arith.constant 4 : i32
      %get3A_103 = arith.index_cast %get3A_102 : i32 to index
      %get3A_104 = arith.index_cast %mul3A_78 : i32 to index
      %get3A_105 = tpu.vector_load %arg7[%get3A_103, %get3A_104] {strides = array<i32>} : memref<13x512xf32, #tpu.memory_space<vmem>>, vector<16xf32>,
      %mul3A_106 = arith.mulf %get3A_105, %gather3A_34 : vector<16xf32>
      %add3A_107 = arith.addf %add3A_101, %mul3A_106 : vector<16xf32>
      %get3A_108 = arith.constant 5 : i32
      %get3A_109 = arith.index_cast %get3A_108 : i32 to index
      %get3A_110 = arith.index_cast %mul3A_78 : i32 to index
      %get3A_111 = tpu.vector_load %arg7[%get3A_109, %get3A_110] {strides = array<i32>} : memref<13x512xf32, #tpu.memory_space<vmem>>, vector<16xf32>,
      %mul3A_112 = arith.mulf %get3A_111, %gather3A_37 : vector<16xf32>
      %add3A_113 = arith.addf %add3A_107, %mul3A_112 : vector<16xf32>
      %get3A_114 = arith.constant 6 : i32
      %get3A_115 = arith.index_cast %get3A_114 : i32 to index
      %get3A_116 = arith.index_cast %mul3A_78 : i32 to index
      %get3A_117 = tpu.vector_load %arg7[%get3A_115, %get3A_116] {strides = array<i32>} : memref<13x512xf32, #tpu.memory_space<vmem>>, vector<16xf32>,
      %mul3A_118 = arith.mulf %get3A_117, %gather3A_40 : vector<16xf32>
      %add3A_119 = arith.addf %add3A_113, %mul3A_118 : vector<16xf32>
      %get3A_120 = arith.constant 7 : i32
      %get3A_121 = arith.index_cast %get3A_120 : i32 to index
      %get3A_122 = arith.index_cast %mul3A_78 : i32 to index
      %get3A_123 = tpu.vector_load %arg7[%get3A_121, %get3A_122] {strides = array<i32>} : memref<13x512xf32, #tpu.memory_space<vmem>>, vector<16xf32>,
      %mul3A_124 = arith.mulf %get3A_123, %gather3A_43 : vector<16xf32>
      %add3A_125 = arith.addf %add3A_119, %mul3A_124 : vector<16xf32>
      %get3A_126 = arith.constant 8 : i32
      %get3A_127 = arith.index_cast %get3A_126 : i32 to index
      %get3A_128 = arith.index_cast %mul3A_78 : i32 to index
      %get3A_129 = tpu.vector_load %arg7[%get3A_127, %get3A_128] {strides = array<i32>} : memref<13x512xf32, #tpu.memory_space<vmem>>, vector<16xf32>,
      %mul3A_130 = arith.mulf %get3A_129, %gather3A_46 : vector<16xf32>
      %add3A_131 = arith.addf %add3A_125, %mul3A_130 : vector<16xf32>
      %get3A_132 = arith.constant 9 : i32
      %get3A_133 = arith.index_cast %get3A_132 : i32 to index
      %get3A_134 = arith.index_cast %mul3A_78 : i32 to index
      %get3A_135 = tpu.vector_load %arg7[%get3A_133, %get3A_134] {strides = array<i32>} : memref<13x512xf32, #tpu.memory_space<vmem>>, vector<16xf32>,
      %mul3A_136 = arith.mulf %get3A_135, %gather3A_49 : vector<16xf32>
      %add3A_137 = arith.addf %add3A_131, %mul3A_136 : vector<16xf32>
      %get3A_138 = arith.constant 10 : i32
      %get3A_139 = arith.index_cast %get3A_138 : i32 to index
      %get3A_140 = arith.index_cast %mul3A_78 : i32 to index
      %get3A_141 = tpu.vector_load %arg7[%get3A_139, %get3A_140] {strides = array<i32>} : memref<13x512xf32, #tpu.memory_space<vmem>>, vector<16xf32>,
      %mul3A_142 = arith.mulf %get3A_141, %gather3A_52 : vector<16xf32>
      %add3A_143 = arith.addf %add3A_137, %mul3A_142 : vector<16xf32>
      %get3A_144 = arith.constant 11 : i32
      %get3A_145 = arith.index_cast %get3A_144 : i32 to index
      %get3A_146 = arith.index_cast %mul3A_78 : i32 to index
      %get3A_147 = tpu.vector_load %arg7[%get3A_145, %get3A_146] {strides = array<i32>} : memref<13x512xf32, #tpu.memory_space<vmem>>, vector<16xf32>,
      %mul3A_148 = arith.mulf %get3A_147, %gather3A_55 : vector<16xf32>
      %add3A_149 = arith.addf %add3A_143, %mul3A_148 : vector<16xf32>
      %get3A_150 = arith.constant 12 : i32
      %get3A_151 = arith.index_cast %get3A_150 : i32 to index
      %get3A_152 = arith.index_cast %mul3A_78 : i32 to index
      %get3A_153 = tpu.vector_load %arg7[%get3A_151, %get3A_152] {strides = array<i32>} : memref<13x512xf32, #tpu.memory_space<vmem>>, vector<16xf32>,
      %mul3A_154 = arith.mulf %get3A_153, %gather3A_58 : vector<16xf32>
      %add3A_155 = arith.addf %add3A_149, %mul3A_154 : vector<16xf32>
      %get3A_156 = arith.constant 0 : i32
      %get3A_157 = arith.index_cast %get3A_156 : i32 to index
      %get3A_158 = arith.index_cast %mul3A_78 : i32 to index
      %get3A_159 = tpu.vector_load %arg8[%get3A_157, %get3A_158] {strides = array<i32>} : memref<26x512xi32, #tpu.memory_space<vmem>>, vector<16xi32>,
      %jit3A = arith.constant 0 : i32
      %jit3A_160 = arith.constant 25 : i32
      %max3A = vector.broadcast %jit3A : i32 to vector<16xi32>
      %max3A_161 = arith.maxsi %max3A, %get3A_159 : vector<16xi32>
      %min3A = vector.broadcast %jit3A_160 : i32 to vector<16xi32>
      %min3A_162 = arith.minsi %min3A, %max3A_161 : vector<16xi32>
      %add3A_163 = arith.constant 0 : i32
      %add3A_164 = vector.broadcast %add3A_163 : i32 to vector<16xi32>
      %add3A_165 = arith.addi %min3A_162, %add3A_164 : vector<16xi32>
      %gather3A_166 = tpu.vector_load_idx %arg11[%add3A_165] : memref<832xf32, #tpu.memory_space<vmem>>[vector<16xi32>], vector<16xf32>,
      %add3A_167 = arith.addf %add3A_155, %gather3A_166 : vector<16xf32>
      %get3A_168 = arith.constant 1 : i32
      %get3A_169 = arith.index_cast %get3A_168 : i32 to index
      %get3A_170 = arith.index_cast %mul3A_78 : i32 to index
      %get3A_171 = tpu.vector_load %arg8[%get3A_169, %get3A_170] {strides = array<i32>} : memref<26x512xi32, #tpu.memory_space<vmem>>, vector<16xi32>,
      %jit3A_172 = arith.constant 0 : i32
      %jit3A_173 = arith.constant 25 : i32
      %max3A_174 = vector.broadcast %jit3A_172 : i32 to vector<16xi32>
      %max3A_175 = arith.maxsi %max3A_174, %get3A_171 : vector<16xi32>
      %min3A_176 = vector.broadcast %jit3A_173 : i32 to vector<16xi32>
      %min3A_177 = arith.minsi %min3A_176, %max3A_175 : vector<16xi32>
      %add3A_178 = arith.constant 32 : i32
      %add3A_179 = vector.broadcast %add3A_178 : i32 to vector<16xi32>
      %add3A_180 = arith.addi %min3A_177, %add3A_179 : vector<16xi32>
      %gather3A_181 = tpu.vector_load_idx %arg11[%add3A_180] : memref<832xf32, #tpu.memory_space<vmem>>[vector<16xi32>], vector<16xf32>,
      %add3A_182 = arith.addf %add3A_167, %gather3A_181 : vector<16xf32>
      %get3A_183 = arith.constant 2 : i32
      %get3A_184 = arith.index_cast %get3A_183 : i32 to index
      %get3A_185 = arith.index_cast %mul3A_78 : i32 to index
      %get3A_186 = tpu.vector_load %arg8[%get3A_184, %get3A_185] {strides = array<i32>} : memref<26x512xi32, #tpu.memory_space<vmem>>, vector<16xi32>,
      %jit3A_187 = arith.constant 0 : i32
      %jit3A_188 = arith.constant 25 : i32
      %max3A_189 = vector.broadcast %jit3A_187 : i32 to vector<16xi32>
      %max3A_190 = arith.maxsi %max3A_189, %get3A_186 : vector<16xi32>
      %min3A_191 = vector.broadcast %jit3A_188 : i32 to vector<16xi32>
      %min3A_192 = arith.minsi %min3A_191, %max3A_190 : vector<16xi32>
      %add3A_193 = arith.constant 64 : i32
      %add3A_194 = vector.broadcast %add3A_193 : i32 to vector<16xi32>
      %add3A_195 = arith.addi %min3A_192, %add3A_194 : vector<16xi32>
      %gather3A_196 = tpu.vector_load_idx %arg11[%add3A_195] : memref<832xf32, #tpu.memory_space<vmem>>[vector<16xi32>], vector<16xf32>,
      %add3A_197 = arith.addf %add3A_182, %gather3A_196 : vector<16xf32>
      %get3A_198 = arith.constant 3 : i32
      %get3A_199 = arith.index_cast %get3A_198 : i32 to index
      %get3A_200 = arith.index_cast %mul3A_78 : i32 to index
      %get3A_201 = tpu.vector_load %arg8[%get3A_199, %get3A_200] {strides = array<i32>} : memref<26x512xi32, #tpu.memory_space<vmem>>, vector<16xi32>,
      %jit3A_202 = arith.constant 0 : i32
      %jit3A_203 = arith.constant 25 : i32
      %max3A_204 = vector.broadcast %jit3A_202 : i32 to vector<16xi32>
      %max3A_205 = arith.maxsi %max3A_204, %get3A_201 : vector<16xi32>
      %min3A_206 = vector.broadcast %jit3A_203 : i32 to vector<16xi32>
      %min3A_207 = arith.minsi %min3A_206, %max3A_205 : vector<16xi32>
      %add3A_208 = arith.constant 96 : i32
      %add3A_209 = vector.broadcast %add3A_208 : i32 to vector<16xi32>
      %add3A_210 = arith.addi %min3A_207, %add3A_209 : vector<16xi32>
      %gather3A_211 = tpu.vector_load_idx %arg11[%add3A_210] : memref<832xf32, #tpu.memory_space<vmem>>[vector<16xi32>], vector<16xf32>,
      %add3A_212 = arith.addf %add3A_197, %gather3A_211 : vector<16xf32>
      %get3A_213 = arith.constant 4 : i32
      %get3A_214 = arith.index_cast %get3A_213 : i32 to index
      %get3A_215 = arith.index_cast %mul3A_78 : i32 to index
      %get3A_216 = tpu.vector_load %arg8[%get3A_214, %get3A_215] {strides = array<i32>} : memref<26x512xi32, #tpu.memory_space<vmem>>, vector<16xi32>,
      %jit3A_217 = arith.constant 0 : i32
      %jit3A_218 = arith.constant 25 : i32
      %max3A_219 = vector.broadcast %jit3A_217 : i32 to vector<16xi32>
      %max3A_220 = arith.maxsi %max3A_219, %get3A_216 : vector<16xi32>
      %min3A_221 = vector.broadcast %jit3A_218 : i32 to vector<16xi32>
      %min3A_222 = arith.minsi %min3A_221, %max3A_220 : vector<16xi32>
      %add3A_223 = arith.constant 128 : i32
      %add3A_224 = vector.broadcast %add3A_223 : i32 to vector<16xi32>
      %add3A_225 = arith.addi %min3A_222, %add3A_224 : vector<16xi32>
      %gather3A_226 = tpu.vector_load_idx %arg11[%add3A_225] : memref<832xf32, #tpu.memory_space<vmem>>[vector<16xi32>], vector<16xf32>,
      %add3A_227 = arith.addf %add3A_212, %gather3A_226 : vector<16xf32>
      %get3A_228 = arith.constant 5 : i32
      %get3A_229 = arith.index_cast %get3A_228 : i32 to index
      %get3A_230 = arith.index_cast %mul3A_78 : i32 to index
      %get3A_231 = tpu.vector_load %arg8[%get3A_229, %get3A_230] {strides = array<i32>} : memref<26x512xi32, #tpu.memory_space<vmem>>, vector<16xi32>,
      %jit3A_232 = arith.constant 0 : i32
      %jit3A_233 = arith.constant 25 : i32
      %max3A_234 = vector.broadcast %jit3A_232 : i32 to vector<16xi32>
      %max3A_235 = arith.maxsi %max3A_234, %get3A_231 : vector<16xi32>
      %min3A_236 = vector.broadcast %jit3A_233 : i32 to vector<16xi32>
      %min3A_237 = arith.minsi %min3A_236, %max3A_235 : vector<16xi32>
      %add3A_238 = arith.constant 160 : i32
      %add3A_239 = vector.broadcast %add3A_238 : i32 to vector<16xi32>
      %add3A_240 = arith.addi %min3A_237, %add3A_239 : vector<16xi32>
      %gather3A_241 = tpu.vector_load_idx %arg11[%add3A_240] : memref<832xf32, #tpu.memory_space<vmem>>[vector<16xi32>], vector<16xf32>,
      %add3A_242 = arith.addf %add3A_227, %gather3A_241 : vector<16xf32>
      %get3A_243 = arith.constant 6 : i32
      %get3A_244 = arith.index_cast %get3A_243 : i32 to index
      %get3A_245 = arith.index_cast %mul3A_78 : i32 to index
      %get3A_246 = tpu.vector_load %arg8[%get3A_244, %get3A_245] {strides = array<i32>} : memref<26x512xi32, #tpu.memory_space<vmem>>, vector<16xi32>,
      %jit3A_247 = arith.constant 0 : i32
      %jit3A_248 = arith.constant 25 : i32
      %max3A_249 = vector.broadcast %jit3A_247 : i32 to vector<16xi32>
      %max3A_250 = arith.maxsi %max3A_249, %get3A_246 : vector<16xi32>
      %min3A_251 = vector.broadcast %jit3A_248 : i32 to vector<16xi32>
      %min3A_252 = arith.minsi %min3A_251, %max3A_250 : vector<16xi32>
      %add3A_253 = arith.constant 192 : i32
      %add3A_254 = vector.broadcast %add3A_253 : i32 to vector<16xi32>
      %add3A_255 = arith.addi %min3A_252, %add3A_254 : vector<16xi32>
      %gather3A_256 = tpu.vector_load_idx %arg11[%add3A_255] : memref<832xf32, #tpu.memory_space<vmem>>[vector<16xi32>], vector<16xf32>,
      %add3A_257 = arith.addf %add3A_242, %gather3A_256 : vector<16xf32>
      %get3A_258 = arith.constant 7 : i32
      %get3A_259 = arith.index_cast %get3A_258 : i32 to index
      %get3A_260 = arith.index_cast %mul3A_78 : i32 to index
      %get3A_261 = tpu.vector_load %arg8[%get3A_259, %get3A_260] {strides = array<i32>} : memref<26x512xi32, #tpu.memory_space<vmem>>, vector<16xi32>,
      %jit3A_262 = arith.constant 0 : i32
      %jit3A_263 = arith.constant 25 : i32
      %max3A_264 = vector.broadcast %jit3A_262 : i32 to vector<16xi32>
      %max3A_265 = arith.maxsi %max3A_264, %get3A_261 : vector<16xi32>
      %min3A_266 = vector.broadcast %jit3A_263 : i32 to vector<16xi32>
      %min3A_267 = arith.minsi %min3A_266, %max3A_265 : vector<16xi32>
      %add3A_268 = arith.constant 224 : i32
      %add3A_269 = vector.broadcast %add3A_268 : i32 to vector<16xi32>
      %add3A_270 = arith.addi %min3A_267, %add3A_269 : vector<16xi32>
      %gather3A_271 = tpu.vector_load_idx %arg11[%add3A_270] : memref<832xf32, #tpu.memory_space<vmem>>[vector<16xi32>], vector<16xf32>,
      %add3A_272 = arith.addf %add3A_257, %gather3A_271 : vector<16xf32>
      %get3A_273 = arith.constant 8 : i32
      %get3A_274 = arith.index_cast %get3A_273 : i32 to index
      %get3A_275 = arith.index_cast %mul3A_78 : i32 to index
      %get3A_276 = tpu.vector_load %arg8[%get3A_274, %get3A_275] {strides = array<i32>} : memref<26x512xi32, #tpu.memory_space<vmem>>, vector<16xi32>,
      %jit3A_277 = arith.constant 0 : i32
      %jit3A_278 = arith.constant 25 : i32
      %max3A_279 = vector.broadcast %jit3A_277 : i32 to vector<16xi32>
      %max3A_280 = arith.maxsi %max3A_279, %get3A_276 : vector<16xi32>
      %min3A_281 = vector.broadcast %jit3A_278 : i32 to vector<16xi32>
      %min3A_282 = arith.minsi %min3A_281, %max3A_280 : vector<16xi32>
      %add3A_283 = arith.constant 256 : i32
      %add3A_284 = vector.broadcast %add3A_283 : i32 to vector<16xi32>
      %add3A_285 = arith.addi %min3A_282, %add3A_284 : vector<16xi32>
      %gather3A_286 = tpu.vector_load_idx %arg11[%add3A_285] : memref<832xf32, #tpu.memory_space<vmem>>[vector<16xi32>], vector<16xf32>,
      %add3A_287 = arith.addf %add3A_272, %gather3A_286 : vector<16xf32>
      %get3A_288 = arith.constant 9 : i32
      %get3A_289 = arith.index_cast %get3A_288 : i32 to index
      %get3A_290 = arith.index_cast %mul3A_78 : i32 to index
      %get3A_291 = tpu.vector_load %arg8[%get3A_289, %get3A_290] {strides = array<i32>} : memref<26x512xi32, #tpu.memory_space<vmem>>, vector<16xi32>,
      %jit3A_292 = arith.constant 0 : i32
      %jit3A_293 = arith.constant 25 : i32
      %max3A_294 = vector.broadcast %jit3A_292 : i32 to vector<16xi32>
      %max3A_295 = arith.maxsi %max3A_294, %get3A_291 : vector<16xi32>
      %min3A_296 = vector.broadcast %jit3A_293 : i32 to vector<16xi32>
      %min3A_297 = arith.minsi %min3A_296, %max3A_295 : vector<16xi32>
      %add3A_298 = arith.constant 288 : i32
      %add3A_299 = vector.broadcast %add3A_298 : i32 to vector<16xi32>
      %add3A_300 = arith.addi %min3A_297, %add3A_299 : vector<16xi32>
      %gather3A_301 = tpu.vector_load_idx %arg11[%add3A_300] : memref<832xf32, #tpu.memory_space<vmem>>[vector<16xi32>], vector<16xf32>,
      %add3A_302 = arith.addf %add3A_287, %gather3A_301 : vector<16xf32>
      %get3A_303 = arith.constant 10 : i32
      %get3A_304 = arith.index_cast %get3A_303 : i32 to index
      %get3A_305 = arith.index_cast %mul3A_78 : i32 to index
      %get3A_306 = tpu.vector_load %arg8[%get3A_304, %get3A_305] {strides = array<i32>} : memref<26x512xi32, #tpu.memory_space<vmem>>, vector<16xi32>,
      %jit3A_307 = arith.constant 0 : i32
      %jit3A_308 = arith.constant 25 : i32
      %max3A_309 = vector.broadcast %jit3A_307 : i32 to vector<16xi32>
      %max3A_310 = arith.maxsi %max3A_309, %get3A_306 : vector<16xi32>
      %min3A_311 = vector.broadcast %jit3A_308 : i32 to vector<16xi32>
      %min3A_312 = arith.minsi %min3A_311, %max3A_310 : vector<16xi32>
      %add3A_313 = arith.constant 320 : i32
      %add3A_314 = vector.broadcast %add3A_313 : i32 to vector<16xi32>
      %add3A_315 = arith.addi %min3A_312, %add3A_314 : vector<16xi32>
      %gather3A_316 = tpu.vector_load_idx %arg11[%add3A_315] : memref<832xf32, #tpu.memory_space<vmem>>[vector<16xi32>], vector<16xf32>,
      %add3A_317 = arith.addf %add3A_302, %gather3A_316 : vector<16xf32>
      %get3A_318 = arith.constant 11 : i32
      %get3A_319 = arith.index_cast %get3A_318 : i32 to index
      %get3A_320 = arith.index_cast %mul3A_78 : i32 to index
      %get3A_321 = tpu.vector_load %arg8[%get3A_319, %get3A_320] {strides = array<i32>} : memref<26x512xi32, #tpu.memory_space<vmem>>, vector<16xi32>,
      %jit3A_322 = arith.constant 0 : i32
      %jit3A_323 = arith.constant 25 : i32
      %max3A_324 = vector.broadcast %jit3A_322 : i32 to vector<16xi32>
      %max3A_325 = arith.maxsi %max3A_324, %get3A_321 : vector<16xi32>
      %min3A_326 = vector.broadcast %jit3A_323 : i32 to vector<16xi32>
      %min3A_327 = arith.minsi %min3A_326, %max3A_325 : vector<16xi32>
      %add3A_328 = arith.constant 352 : i32
      %add3A_329 = vector.broadcast %add3A_328 : i32 to vector<16xi32>
      %add3A_330 = arith.addi %min3A_327, %add3A_329 : vector<16xi32>
      %gather3A_331 = tpu.vector_load_idx %arg11[%add3A_330] : memref<832xf32, #tpu.memory_space<vmem>>[vector<16xi32>], vector<16xf32>,
      %add3A_332 = arith.addf %add3A_317, %gather3A_331 : vector<16xf32>
      %get3A_333 = arith.constant 12 : i32
      %get3A_334 = arith.index_cast %get3A_333 : i32 to index
      %get3A_335 = arith.index_cast %mul3A_78 : i32 to index
      %get3A_336 = tpu.vector_load %arg8[%get3A_334, %get3A_335] {strides = array<i32>} : memref<26x512xi32, #tpu.memory_space<vmem>>, vector<16xi32>,
      %jit3A_337 = arith.constant 0 : i32
      %jit3A_338 = arith.constant 25 : i32
      %max3A_339 = vector.broadcast %jit3A_337 : i32 to vector<16xi32>
      %max3A_340 = arith.maxsi %max3A_339, %get3A_336 : vector<16xi32>
      %min3A_341 = vector.broadcast %jit3A_338 : i32 to vector<16xi32>
      %min3A_342 = arith.minsi %min3A_341, %max3A_340 : vector<16xi32>
      %add3A_343 = arith.constant 384 : i32
      %add3A_344 = vector.broadcast %add3A_343 : i32 to vector<16xi32>
      %add3A_345 = arith.addi %min3A_342, %add3A_344 : vector<16xi32>
      %gather3A_346 = tpu.vector_load_idx %arg11[%add3A_345] : memref<832xf32, #tpu.memory_space<vmem>>[vector<16xi32>], vector<16xf32>,
      %add3A_347 = arith.addf %add3A_332, %gather3A_346 : vector<16xf32>
      %get3A_348 = arith.constant 13 : i32
      %get3A_349 = arith.index_cast %get3A_348 : i32 to index
      %get3A_350 = arith.index_cast %mul3A_78 : i32 to index
      %get3A_351 = tpu.vector_load %arg8[%get3A_349, %get3A_350] {strides = array<i32>} : memref<26x512xi32, #tpu.memory_space<vmem>>, vector<16xi32>,
      %jit3A_352 = arith.constant 0 : i32
      %jit3A_353 = arith.constant 25 : i32
      %max3A_354 = vector.broadcast %jit3A_352 : i32 to vector<16xi32>
      %max3A_355 = arith.maxsi %max3A_354, %get3A_351 : vector<16xi32>
      %min3A_356 = vector.broadcast %jit3A_353 : i32 to vector<16xi32>
      %min3A_357 = arith.minsi %min3A_356, %max3A_355 : vector<16xi32>
      %add3A_358 = arith.constant 416 : i32
      %add3A_359 = vector.broadcast %add3A_358 : i32 to vector<16xi32>
      %add3A_360 = arith.addi %min3A_357, %add3A_359 : vector<16xi32>
      %gather3A_361 = tpu.vector_load_idx %arg11[%add3A_360] : memref<832xf32, #tpu.memory_space<vmem>>[vector<16xi32>], vector<16xf32>,
      %add3A_362 = arith.addf %add3A_347, %gather3A_361 : vector<16xf32>
      %get3A_363 = arith.constant 14 : i32
      %get3A_364 = arith.index_cast %get3A_363 : i32 to index
      %get3A_365 = arith.index_cast %mul3A_78 : i32 to index
      %get3A_366 = tpu.vector_load %arg8[%get3A_364, %get3A_365] {strides = array<i32>} : memref<26x512xi32, #tpu.memory_space<vmem>>, vector<16xi32>,
      %jit3A_367 = arith.constant 0 : i32
      %jit3A_368 = arith.constant 25 : i32
      %max3A_369 = vector.broadcast %jit3A_367 : i32 to vector<16xi32>
      %max3A_370 = arith.maxsi %max3A_369, %get3A_366 : vector<16xi32>
      %min3A_371 = vector.broadcast %jit3A_368 : i32 to vector<16xi32>
      %min3A_372 = arith.minsi %min3A_371, %max3A_370 : vector<16xi32>
      %add3A_373 = arith.constant 448 : i32
      %add3A_374 = vector.broadcast %add3A_373 : i32 to vector<16xi32>
      %add3A_375 = arith.addi %min3A_372, %add3A_374 : vector<16xi32>
      %gather3A_376 = tpu.vector_load_idx %arg11[%add3A_375] : memref<832xf32, #tpu.memory_space<vmem>>[vector<16xi32>], vector<16xf32>,
      %add3A_377 = arith.addf %add3A_362, %gather3A_376 : vector<16xf32>
      %get3A_378 = arith.constant 15 : i32
      %get3A_379 = arith.index_cast %get3A_378 : i32 to index
      %get3A_380 = arith.index_cast %mul3A_78 : i32 to index
      %get3A_381 = tpu.vector_load %arg8[%get3A_379, %get3A_380] {strides = array<i32>} : memref<26x512xi32, #tpu.memory_space<vmem>>, vector<16xi32>,
      %jit3A_382 = arith.constant 0 : i32
      %jit3A_383 = arith.constant 25 : i32
      %max3A_384 = vector.broadcast %jit3A_382 : i32 to vector<16xi32>
      %max3A_385 = arith.maxsi %max3A_384, %get3A_381 : vector<16xi32>
      %min3A_386 = vector.broadcast %jit3A_383 : i32 to vector<16xi32>
      %min3A_387 = arith.minsi %min3A_386, %max3A_385 : vector<16xi32>
      %add3A_388 = arith.constant 480 : i32
      %add3A_389 = vector.broadcast %add3A_388 : i32 to vector<16xi32>
      %add3A_390 = arith.addi %min3A_387, %add3A_389 : vector<16xi32>
      %gather3A_391 = tpu.vector_load_idx %arg11[%add3A_390] : memref<832xf32, #tpu.memory_space<vmem>>[vector<16xi32>], vector<16xf32>,
      %add3A_392 = arith.addf %add3A_377, %gather3A_391 : vector<16xf32>
      %get3A_393 = arith.constant 16 : i32
      %get3A_394 = arith.index_cast %get3A_393 : i32 to index
      %get3A_395 = arith.index_cast %mul3A_78 : i32 to index
      %get3A_396 = tpu.vector_load %arg8[%get3A_394, %get3A_395] {strides = array<i32>} : memref<26x512xi32, #tpu.memory_space<vmem>>, vector<16xi32>,
      %jit3A_397 = arith.constant 0 : i32
      %jit3A_398 = arith.constant 25 : i32
      %max3A_399 = vector.broadcast %jit3A_397 : i32 to vector<16xi32>
      %max3A_400 = arith.maxsi %max3A_399, %get3A_396 : vector<16xi32>
      %min3A_401 = vector.broadcast %jit3A_398 : i32 to vector<16xi32>
      %min3A_402 = arith.minsi %min3A_401, %max3A_400 : vector<16xi32>
      %add3A_403 = arith.constant 512 : i32
      %add3A_404 = vector.broadcast %add3A_403 : i32 to vector<16xi32>
      %add3A_405 = arith.addi %min3A_402, %add3A_404 : vector<16xi32>
      %gather3A_406 = tpu.vector_load_idx %arg11[%add3A_405] : memref<832xf32, #tpu.memory_space<vmem>>[vector<16xi32>], vector<16xf32>,
      %add3A_407 = arith.addf %add3A_392, %gather3A_406 : vector<16xf32>
      %get3A_408 = arith.constant 17 : i32
      %get3A_409 = arith.index_cast %get3A_408 : i32 to index
      %get3A_410 = arith.index_cast %mul3A_78 : i32 to index
      %get3A_411 = tpu.vector_load %arg8[%get3A_409, %get3A_410] {strides = array<i32>} : memref<26x512xi32, #tpu.memory_space<vmem>>, vector<16xi32>,
      %jit3A_412 = arith.constant 0 : i32
      %jit3A_413 = arith.constant 25 : i32
      %max3A_414 = vector.broadcast %jit3A_412 : i32 to vector<16xi32>
      %max3A_415 = arith.maxsi %max3A_414, %get3A_411 : vector<16xi32>
      %min3A_416 = vector.broadcast %jit3A_413 : i32 to vector<16xi32>
      %min3A_417 = arith.minsi %min3A_416, %max3A_415 : vector<16xi32>
      %add3A_418 = arith.constant 544 : i32
      %add3A_419 = vector.broadcast %add3A_418 : i32 to vector<16xi32>
      %add3A_420 = arith.addi %min3A_417, %add3A_419 : vector<16xi32>
      %gather3A_421 = tpu.vector_load_idx %arg11[%add3A_420] : memref<832xf32, #tpu.memory_space<vmem>>[vector<16xi32>], vector<16xf32>,
      %add3A_422 = arith.addf %add3A_407, %gather3A_421 : vector<16xf32>
      %get3A_423 = arith.constant 18 : i32
      %get3A_424 = arith.index_cast %get3A_423 : i32 to index
      %get3A_425 = arith.index_cast %mul3A_78 : i32 to index
      %get3A_426 = tpu.vector_load %arg8[%get3A_424, %get3A_425] {strides = array<i32>} : memref<26x512xi32, #tpu.memory_space<vmem>>, vector<16xi32>,
      %jit3A_427 = arith.constant 0 : i32
      %jit3A_428 = arith.constant 25 : i32
      %max3A_429 = vector.broadcast %jit3A_427 : i32 to vector<16xi32>
      %max3A_430 = arith.maxsi %max3A_429, %get3A_426 : vector<16xi32>
      %min3A_431 = vector.broadcast %jit3A_428 : i32 to vector<16xi32>
      %min3A_432 = arith.minsi %min3A_431, %max3A_430 : vector<16xi32>
      %add3A_433 = arith.constant 576 : i32
      %add3A_434 = vector.broadcast %add3A_433 : i32 to vector<16xi32>
      %add3A_435 = arith.addi %min3A_432, %add3A_434 : vector<16xi32>
      %gather3A_436 = tpu.vector_load_idx %arg11[%add3A_435] : memref<832xf32, #tpu.memory_space<vmem>>[vector<16xi32>], vector<16xf32>,
      %add3A_437 = arith.addf %add3A_422, %gather3A_436 : vector<16xf32>
      %get3A_438 = arith.constant 19 : i32
      %get3A_439 = arith.index_cast %get3A_438 : i32 to index
      %get3A_440 = arith.index_cast %mul3A_78 : i32 to index
      %get3A_441 = tpu.vector_load %arg8[%get3A_439, %get3A_440] {strides = array<i32>} : memref<26x512xi32, #tpu.memory_space<vmem>>, vector<16xi32>,
      %jit3A_442 = arith.constant 0 : i32
      %jit3A_443 = arith.constant 25 : i32
      %max3A_444 = vector.broadcast %jit3A_442 : i32 to vector<16xi32>
      %max3A_445 = arith.maxsi %max3A_444, %get3A_441 : vector<16xi32>
      %min3A_446 = vector.broadcast %jit3A_443 : i32 to vector<16xi32>
      %min3A_447 = arith.minsi %min3A_446, %max3A_445 : vector<16xi32>
      %add3A_448 = arith.constant 608 : i32
      %add3A_449 = vector.broadcast %add3A_448 : i32 to vector<16xi32>
      %add3A_450 = arith.addi %min3A_447, %add3A_449 : vector<16xi32>
      %gather3A_451 = tpu.vector_load_idx %arg11[%add3A_450] : memref<832xf32, #tpu.memory_space<vmem>>[vector<16xi32>], vector<16xf32>,
      %add3A_452 = arith.addf %add3A_437, %gather3A_451 : vector<16xf32>
      %get3A_453 = arith.constant 20 : i32
      %get3A_454 = arith.index_cast %get3A_453 : i32 to index
      %get3A_455 = arith.index_cast %mul3A_78 : i32 to index
      %get3A_456 = tpu.vector_load %arg8[%get3A_454, %get3A_455] {strides = array<i32>} : memref<26x512xi32, #tpu.memory_space<vmem>>, vector<16xi32>,
      %jit3A_457 = arith.constant 0 : i32
      %jit3A_458 = arith.constant 25 : i32
      %max3A_459 = vector.broadcast %jit3A_457 : i32 to vector<16xi32>
      %max3A_460 = arith.maxsi %max3A_459, %get3A_456 : vector<16xi32>
      %min3A_461 = vector.broadcast %jit3A_458 : i32 to vector<16xi32>
      %min3A_462 = arith.minsi %min3A_461, %max3A_460 : vector<16xi32>
      %add3A_463 = arith.constant 640 : i32
      %add3A_464 = vector.broadcast %add3A_463 : i32 to vector<16xi32>
      %add3A_465 = arith.addi %min3A_462, %add3A_464 : vector<16xi32>
      %gather3A_466 = tpu.vector_load_idx %arg11[%add3A_465] : memref<832xf32, #tpu.memory_space<vmem>>[vector<16xi32>], vector<16xf32>,
      %add3A_467 = arith.addf %add3A_452, %gather3A_466 : vector<16xf32>
      %get3A_468 = arith.constant 21 : i32
      %get3A_469 = arith.index_cast %get3A_468 : i32 to index
      %get3A_470 = arith.index_cast %mul3A_78 : i32 to index
      %get3A_471 = tpu.vector_load %arg8[%get3A_469, %get3A_470] {strides = array<i32>} : memref<26x512xi32, #tpu.memory_space<vmem>>, vector<16xi32>,
      %jit3A_472 = arith.constant 0 : i32
      %jit3A_473 = arith.constant 25 : i32
      %max3A_474 = vector.broadcast %jit3A_472 : i32 to vector<16xi32>
      %max3A_475 = arith.maxsi %max3A_474, %get3A_471 : vector<16xi32>
      %min3A_476 = vector.broadcast %jit3A_473 : i32 to vector<16xi32>
      %min3A_477 = arith.minsi %min3A_476, %max3A_475 : vector<16xi32>
      %add3A_478 = arith.constant 672 : i32
      %add3A_479 = vector.broadcast %add3A_478 : i32 to vector<16xi32>
      %add3A_480 = arith.addi %min3A_477, %add3A_479 : vector<16xi32>
      %gather3A_481 = tpu.vector_load_idx %arg11[%add3A_480] : memref<832xf32, #tpu.memory_space<vmem>>[vector<16xi32>], vector<16xf32>,
      %add3A_482 = arith.addf %add3A_467, %gather3A_481 : vector<16xf32>
      %get3A_483 = arith.constant 22 : i32
      %get3A_484 = arith.index_cast %get3A_483 : i32 to index
      %get3A_485 = arith.index_cast %mul3A_78 : i32 to index
      %get3A_486 = tpu.vector_load %arg8[%get3A_484, %get3A_485] {strides = array<i32>} : memref<26x512xi32, #tpu.memory_space<vmem>>, vector<16xi32>,
      %jit3A_487 = arith.constant 0 : i32
      %jit3A_488 = arith.constant 25 : i32
      %max3A_489 = vector.broadcast %jit3A_487 : i32 to vector<16xi32>
      %max3A_490 = arith.maxsi %max3A_489, %get3A_486 : vector<16xi32>
      %min3A_491 = vector.broadcast %jit3A_488 : i32 to vector<16xi32>
      %min3A_492 = arith.minsi %min3A_491, %max3A_490 : vector<16xi32>
      %add3A_493 = arith.constant 704 : i32
      %add3A_494 = vector.broadcast %add3A_493 : i32 to vector<16xi32>
      %add3A_495 = arith.addi %min3A_492, %add3A_494 : vector<16xi32>
      %gather3A_496 = tpu.vector_load_idx %arg11[%add3A_495] : memref<832xf32, #tpu.memory_space<vmem>>[vector<16xi32>], vector<16xf32>,
      %add3A_497 = arith.addf %add3A_482, %gather3A_496 : vector<16xf32>
      %get3A_498 = arith.constant 23 : i32
      %get3A_499 = arith.index_cast %get3A_498 : i32 to index
      %get3A_500 = arith.index_cast %mul3A_78 : i32 to index
      %get3A_501 = tpu.vector_load %arg8[%get3A_499, %get3A_500] {strides = array<i32>} : memref<26x512xi32, #tpu.memory_space<vmem>>, vector<16xi32>,
      %jit3A_502 = arith.constant 0 : i32
      %jit3A_503 = arith.constant 25 : i32
      %max3A_504 = vector.broadcast %jit3A_502 : i32 to vector<16xi32>
      %max3A_505 = arith.maxsi %max3A_504, %get3A_501 : vector<16xi32>
      %min3A_506 = vector.broadcast %jit3A_503 : i32 to vector<16xi32>
      %min3A_507 = arith.minsi %min3A_506, %max3A_505 : vector<16xi32>
      %add3A_508 = arith.constant 736 : i32
      %add3A_509 = vector.broadcast %add3A_508 : i32 to vector<16xi32>
      %add3A_510 = arith.addi %min3A_507, %add3A_509 : vector<16xi32>
      %gather3A_511 = tpu.vector_load_idx %arg11[%add3A_510] : memref<832xf32, #tpu.memory_space<vmem>>[vector<16xi32>], vector<16xf32>,
      %add3A_512 = arith.addf %add3A_497, %gather3A_511 : vector<16xf32>
      %get3A_513 = arith.constant 24 : i32
      %get3A_514 = arith.index_cast %get3A_513 : i32 to index
      %get3A_515 = arith.index_cast %mul3A_78 : i32 to index
      %get3A_516 = tpu.vector_load %arg8[%get3A_514, %get3A_515] {strides = array<i32>} : memref<26x512xi32, #tpu.memory_space<vmem>>, vector<16xi32>,
      %jit3A_517 = arith.constant 0 : i32
      %jit3A_518 = arith.constant 25 : i32
      %max3A_519 = vector.broadcast %jit3A_517 : i32 to vector<16xi32>
      %max3A_520 = arith.maxsi %max3A_519, %get3A_516 : vector<16xi32>
      %min3A_521 = vector.broadcast %jit3A_518 : i32 to vector<16xi32>
      %min3A_522 = arith.minsi %min3A_521, %max3A_520 : vector<16xi32>
      %add3A_523 = arith.constant 768 : i32
      %add3A_524 = vector.broadcast %add3A_523 : i32 to vector<16xi32>
      %add3A_525 = arith.addi %min3A_522, %add3A_524 : vector<16xi32>
      %gather3A_526 = tpu.vector_load_idx %arg11[%add3A_525] : memref<832xf32, #tpu.memory_space<vmem>>[vector<16xi32>], vector<16xf32>,
      %add3A_527 = arith.addf %add3A_512, %gather3A_526 : vector<16xf32>
      %get3A_528 = arith.constant 25 : i32
      %get3A_529 = arith.index_cast %get3A_528 : i32 to index
      %get3A_530 = arith.index_cast %mul3A_78 : i32 to index
      %get3A_531 = tpu.vector_load %arg8[%get3A_529, %get3A_530] {strides = array<i32>} : memref<26x512xi32, #tpu.memory_space<vmem>>, vector<16xi32>,
      %jit3A_532 = arith.constant 0 : i32
      %jit3A_533 = arith.constant 25 : i32
      %max3A_534 = vector.broadcast %jit3A_532 : i32 to vector<16xi32>
      %max3A_535 = arith.maxsi %max3A_534, %get3A_531 : vector<16xi32>
      %min3A_536 = vector.broadcast %jit3A_533 : i32 to vector<16xi32>
      %min3A_537 = arith.minsi %min3A_536, %max3A_535 : vector<16xi32>
      %add3A_538 = arith.constant 800 : i32
      %add3A_539 = vector.broadcast %add3A_538 : i32 to vector<16xi32>
      %add3A_540 = arith.addi %min3A_537, %add3A_539 : vector<16xi32>
      %gather3A_541 = tpu.vector_load_idx %arg11[%add3A_540] : memref<832xf32, #tpu.memory_space<vmem>>[vector<16xi32>], vector<16xf32>,
      %add3A_542 = arith.addf %add3A_527, %gather3A_541 : vector<16xf32>
      %get3A_543 = arith.constant 0 : i32
      %get3A_544 = arith.index_cast %get3A_543 : i32 to index
      %get3A_545 = arith.index_cast %mul3A_78 : i32 to index
      %get3A_546 = tpu.vector_load %arg9[%get3A_544, %get3A_545] {strides = array<i32>} : memref<13x512xi32, #tpu.memory_space<vmem>>, vector<16xi32>,
      %jit3A_547 = arith.constant 0 : i32
      %jit3A_548 = arith.constant 7 : i32
      %max3A_549 = vector.broadcast %jit3A_547 : i32 to vector<16xi32>
      %max3A_550 = arith.maxsi %max3A_549, %get3A_546 : vector<16xi32>
      %min3A_551 = vector.broadcast %jit3A_548 : i32 to vector<16xi32>
      %min3A_552 = arith.minsi %min3A_551, %max3A_550 : vector<16xi32>
      %add3A_553 = arith.constant 13741 : i32
      %add3A_554 = vector.broadcast %add3A_553 : i32 to vector<16xi32>
      %add3A_555 = arith.addi %min3A_552, %add3A_554 : vector<16xi32>
      %gather3A_556 = tpu.vector_load_idx %arg10[%add3A_555] : memref<13848xf32, #tpu.memory_space<vmem>>[vector<16xi32>], vector<16xf32>,
      %add3A_557 = arith.addf %add3A_542, %gather3A_556 : vector<16xf32>
      %get3A_558 = arith.constant 1 : i32
      %get3A_559 = arith.index_cast %get3A_558 : i32 to index
      %get3A_560 = arith.index_cast %mul3A_78 : i32 to index
      %get3A_561 = tpu.vector_load %arg9[%get3A_559, %get3A_560] {strides = array<i32>} : memref<13x512xi32, #tpu.memory_space<vmem>>, vector<16xi32>,
      %jit3A_562 = arith.constant 0 : i32
      %jit3A_563 = arith.constant 7 : i32
      %max3A_564 = vector.broadcast %jit3A_562 : i32 to vector<16xi32>
      %max3A_565 = arith.maxsi %max3A_564, %get3A_561 : vector<16xi32>
      %min3A_566 = vector.broadcast %jit3A_563 : i32 to vector<16xi32>
      %min3A_567 = arith.minsi %min3A_566, %max3A_565 : vector<16xi32>
      %add3A_568 = arith.constant 13749 : i32
      %add3A_569 = vector.broadcast %add3A_568 : i32 to vector<16xi32>
      %add3A_570 = arith.addi %min3A_567, %add3A_569 : vector<16xi32>
      %gather3A_571 = tpu.vector_load_idx %arg10[%add3A_570] : memref<13848xf32, #tpu.memory_space<vmem>>[vector<16xi32>], vector<16xf32>,
      %add3A_572 = arith.addf %add3A_557, %gather3A_571 : vector<16xf32>
      %get3A_573 = arith.constant 2 : i32
      %get3A_574 = arith.index_cast %get3A_573 : i32 to index
      %get3A_575 = arith.index_cast %mul3A_78 : i32 to index
      %get3A_576 = tpu.vector_load %arg9[%get3A_574, %get3A_575] {strides = array<i32>} : memref<13x512xi32, #tpu.memory_space<vmem>>, vector<16xi32>,
      %jit3A_577 = arith.constant 0 : i32
      %jit3A_578 = arith.constant 7 : i32
      %max3A_579 = vector.broadcast %jit3A_577 : i32 to vector<16xi32>
      %max3A_580 = arith.maxsi %max3A_579, %get3A_576 : vector<16xi32>
      %min3A_581 = vector.broadcast %jit3A_578 : i32 to vector<16xi32>
      %min3A_582 = arith.minsi %min3A_581, %max3A_580 : vector<16xi32>
      %add3A_583 = arith.constant 13757 : i32
      %add3A_584 = vector.broadcast %add3A_583 : i32 to vector<16xi32>
      %add3A_585 = arith.addi %min3A_582, %add3A_584 : vector<16xi32>
      %gather3A_586 = tpu.vector_load_idx %arg10[%add3A_585] : memref<13848xf32, #tpu.memory_space<vmem>>[vector<16xi32>], vector<16xf32>,
      %add3A_587 = arith.addf %add3A_572, %gather3A_586 : vector<16xf32>
      %get3A_588 = arith.constant 3 : i32
      %get3A_589 = arith.index_cast %get3A_588 : i32 to index
      %get3A_590 = arith.index_cast %mul3A_78 : i32 to index
      %get3A_591 = tpu.vector_load %arg9[%get3A_589, %get3A_590] {strides = array<i32>} : memref<13x512xi32, #tpu.memory_space<vmem>>, vector<16xi32>,
      %jit3A_592 = arith.constant 0 : i32
      %jit3A_593 = arith.constant 7 : i32
      %max3A_594 = vector.broadcast %jit3A_592 : i32 to vector<16xi32>
      %max3A_595 = arith.maxsi %max3A_594, %get3A_591 : vector<16xi32>
      %min3A_596 = vector.broadcast %jit3A_593 : i32 to vector<16xi32>
      %min3A_597 = arith.minsi %min3A_596, %max3A_595 : vector<16xi32>
      %add3A_598 = arith.constant 13765 : i32
      %add3A_599 = vector.broadcast %add3A_598 : i32 to vector<16xi32>
      %add3A_600 = arith.addi %min3A_597, %add3A_599 : vector<16xi32>
      %gather3A_601 = tpu.vector_load_idx %arg10[%add3A_600] : memref<13848xf32, #tpu.memory_space<vmem>>[vector<16xi32>], vector<16xf32>,
      %add3A_602 = arith.addf %add3A_587, %gather3A_601 : vector<16xf32>
      %get3A_603 = arith.constant 4 : i32
      %get3A_604 = arith.index_cast %get3A_603 : i32 to index
      %get3A_605 = arith.index_cast %mul3A_78 : i32 to index
      %get3A_606 = tpu.vector_load %arg9[%get3A_604, %get3A_605] {strides = array<i32>} : memref<13x512xi32, #tpu.memory_space<vmem>>, vector<16xi32>,
      %jit3A_607 = arith.constant 0 : i32
      %jit3A_608 = arith.constant 7 : i32
      %max3A_609 = vector.broadcast %jit3A_607 : i32 to vector<16xi32>
      %max3A_610 = arith.maxsi %max3A_609, %get3A_606 : vector<16xi32>
      %min3A_611 = vector.broadcast %jit3A_608 : i32 to vector<16xi32>
      %min3A_612 = arith.minsi %min3A_611, %max3A_610 : vector<16xi32>
      %add3A_613 = arith.constant 13773 : i32
      %add3A_614 = vector.broadcast %add3A_613 : i32 to vector<16xi32>
      %add3A_615 = arith.addi %min3A_612, %add3A_614 : vector<16xi32>
      %gather3A_616 = tpu.vector_load_idx %arg10[%add3A_615] : memref<13848xf32, #tpu.memory_space<vmem>>[vector<16xi32>], vector<16xf32>,
      %add3A_617 = arith.addf %add3A_602, %gather3A_616 : vector<16xf32>
      %get3A_618 = arith.constant 5 : i32
      %get3A_619 = arith.index_cast %get3A_618 : i32 to index
      %get3A_620 = arith.index_cast %mul3A_78 : i32 to index
      %get3A_621 = tpu.vector_load %arg9[%get3A_619, %get3A_620] {strides = array<i32>} : memref<13x512xi32, #tpu.memory_space<vmem>>, vector<16xi32>,
      %jit3A_622 = arith.constant 0 : i32
      %jit3A_623 = arith.constant 7 : i32
      %max3A_624 = vector.broadcast %jit3A_622 : i32 to vector<16xi32>
      %max3A_625 = arith.maxsi %max3A_624, %get3A_621 : vector<16xi32>
      %min3A_626 = vector.broadcast %jit3A_623 : i32 to vector<16xi32>
      %min3A_627 = arith.minsi %min3A_626, %max3A_625 : vector<16xi32>
      %add3A_628 = arith.constant 13781 : i32
      %add3A_629 = vector.broadcast %add3A_628 : i32 to vector<16xi32>
      %add3A_630 = arith.addi %min3A_627, %add3A_629 : vector<16xi32>
      %gather3A_631 = tpu.vector_load_idx %arg10[%add3A_630] : memref<13848xf32, #tpu.memory_space<vmem>>[vector<16xi32>], vector<16xf32>,
      %add3A_632 = arith.addf %add3A_617, %gather3A_631 : vector<16xf32>
      %get3A_633 = arith.constant 6 : i32
      %get3A_634 = arith.index_cast %get3A_633 : i32 to index
      %get3A_635 = arith.index_cast %mul3A_78 : i32 to index
      %get3A_636 = tpu.vector_load %arg9[%get3A_634, %get3A_635] {strides = array<i32>} : memref<13x512xi32, #tpu.memory_space<vmem>>, vector<16xi32>,
      %jit3A_637 = arith.constant 0 : i32
      %jit3A_638 = arith.constant 7 : i32
      %max3A_639 = vector.broadcast %jit3A_637 : i32 to vector<16xi32>
      %max3A_640 = arith.maxsi %max3A_639, %get3A_636 : vector<16xi32>
      %min3A_641 = vector.broadcast %jit3A_638 : i32 to vector<16xi32>
      %min3A_642 = arith.minsi %min3A_641, %max3A_640 : vector<16xi32>
      %add3A_643 = arith.constant 13789 : i32
      %add3A_644 = vector.broadcast %add3A_643 : i32 to vector<16xi32>
      %add3A_645 = arith.addi %min3A_642, %add3A_644 : vector<16xi32>
      %gather3A_646 = tpu.vector_load_idx %arg10[%add3A_645] : memref<13848xf32, #tpu.memory_space<vmem>>[vector<16xi32>], vector<16xf32>,
      %add3A_647 = arith.addf %add3A_632, %gather3A_646 : vector<16xf32>
      %get3A_648 = arith.constant 7 : i32
      %get3A_649 = arith.index_cast %get3A_648 : i32 to index
      %get3A_650 = arith.index_cast %mul3A_78 : i32 to index
      %get3A_651 = tpu.vector_load %arg9[%get3A_649, %get3A_650] {strides = array<i32>} : memref<13x512xi32, #tpu.memory_space<vmem>>, vector<16xi32>,
      %jit3A_652 = arith.constant 0 : i32
      %jit3A_653 = arith.constant 7 : i32
      %max3A_654 = vector.broadcast %jit3A_652 : i32 to vector<16xi32>
      %max3A_655 = arith.maxsi %max3A_654, %get3A_651 : vector<16xi32>
      %min3A_656 = vector.broadcast %jit3A_653 : i32 to vector<16xi32>
      %min3A_657 = arith.minsi %min3A_656, %max3A_655 : vector<16xi32>
      %add3A_658 = arith.constant 13797 : i32
      %add3A_659 = vector.broadcast %add3A_658 : i32 to vector<16xi32>
      %add3A_660 = arith.addi %min3A_657, %add3A_659 : vector<16xi32>
      %gather3A_661 = tpu.vector_load_idx %arg10[%add3A_660] : memref<13848xf32, #tpu.memory_space<vmem>>[vector<16xi32>], vector<16xf32>,
      %add3A_662 = arith.addf %add3A_647, %gather3A_661 : vector<16xf32>
      %get3A_663 = arith.constant 8 : i32
      %get3A_664 = arith.index_cast %get3A_663 : i32 to index
      %get3A_665 = arith.index_cast %mul3A_78 : i32 to index
      %get3A_666 = tpu.vector_load %arg9[%get3A_664, %get3A_665] {strides = array<i32>} : memref<13x512xi32, #tpu.memory_space<vmem>>, vector<16xi32>,
      %jit3A_667 = arith.constant 0 : i32
      %jit3A_668 = arith.constant 7 : i32
      %max3A_669 = vector.broadcast %jit3A_667 : i32 to vector<16xi32>
      %max3A_670 = arith.maxsi %max3A_669, %get3A_666 : vector<16xi32>
      %min3A_671 = vector.broadcast %jit3A_668 : i32 to vector<16xi32>
      %min3A_672 = arith.minsi %min3A_671, %max3A_670 : vector<16xi32>
      %add3A_673 = arith.constant 13805 : i32
      %add3A_674 = vector.broadcast %add3A_673 : i32 to vector<16xi32>
      %add3A_675 = arith.addi %min3A_672, %add3A_674 : vector<16xi32>
      %gather3A_676 = tpu.vector_load_idx %arg10[%add3A_675] : memref<13848xf32, #tpu.memory_space<vmem>>[vector<16xi32>], vector<16xf32>,
      %add3A_677 = arith.addf %add3A_662, %gather3A_676 : vector<16xf32>
      %get3A_678 = arith.constant 9 : i32
      %get3A_679 = arith.index_cast %get3A_678 : i32 to index
      %get3A_680 = arith.index_cast %mul3A_78 : i32 to index
      %get3A_681 = tpu.vector_load %arg9[%get3A_679, %get3A_680] {strides = array<i32>} : memref<13x512xi32, #tpu.memory_space<vmem>>, vector<16xi32>,
      %jit3A_682 = arith.constant 0 : i32
      %jit3A_683 = arith.constant 7 : i32
      %max3A_684 = vector.broadcast %jit3A_682 : i32 to vector<16xi32>
      %max3A_685 = arith.maxsi %max3A_684, %get3A_681 : vector<16xi32>
      %min3A_686 = vector.broadcast %jit3A_683 : i32 to vector<16xi32>
      %min3A_687 = arith.minsi %min3A_686, %max3A_685 : vector<16xi32>
      %add3A_688 = arith.constant 13813 : i32
      %add3A_689 = vector.broadcast %add3A_688 : i32 to vector<16xi32>
      %add3A_690 = arith.addi %min3A_687, %add3A_689 : vector<16xi32>
      %gather3A_691 = tpu.vector_load_idx %arg10[%add3A_690] : memref<13848xf32, #tpu.memory_space<vmem>>[vector<16xi32>], vector<16xf32>,
      %add3A_692 = arith.addf %add3A_677, %gather3A_691 : vector<16xf32>
      %get3A_693 = arith.constant 10 : i32
      %get3A_694 = arith.index_cast %get3A_693 : i32 to index
      %get3A_695 = arith.index_cast %mul3A_78 : i32 to index
      %get3A_696 = tpu.vector_load %arg9[%get3A_694, %get3A_695] {strides = array<i32>} : memref<13x512xi32, #tpu.memory_space<vmem>>, vector<16xi32>,
      %jit3A_697 = arith.constant 0 : i32
      %jit3A_698 = arith.constant 7 : i32
      %max3A_699 = vector.broadcast %jit3A_697 : i32 to vector<16xi32>
      %max3A_700 = arith.maxsi %max3A_699, %get3A_696 : vector<16xi32>
      %min3A_701 = vector.broadcast %jit3A_698 : i32 to vector<16xi32>
      %min3A_702 = arith.minsi %min3A_701, %max3A_700 : vector<16xi32>
      %add3A_703 = arith.constant 13821 : i32
      %add3A_704 = vector.broadcast %add3A_703 : i32 to vector<16xi32>
      %add3A_705 = arith.addi %min3A_702, %add3A_704 : vector<16xi32>
      %gather3A_706 = tpu.vector_load_idx %arg10[%add3A_705] : memref<13848xf32, #tpu.memory_space<vmem>>[vector<16xi32>], vector<16xf32>,
      %add3A_707 = arith.addf %add3A_692, %gather3A_706 : vector<16xf32>
      %get3A_708 = arith.constant 11 : i32
      %get3A_709 = arith.index_cast %get3A_708 : i32 to index
      %get3A_710 = arith.index_cast %mul3A_78 : i32 to index
      %get3A_711 = tpu.vector_load %arg9[%get3A_709, %get3A_710] {strides = array<i32>} : memref<13x512xi32, #tpu.memory_space<vmem>>, vector<16xi32>,
      %jit3A_712 = arith.constant 0 : i32
      %jit3A_713 = arith.constant 7 : i32
      %max3A_714 = vector.broadcast %jit3A_712 : i32 to vector<16xi32>
      %max3A_715 = arith.maxsi %max3A_714, %get3A_711 : vector<16xi32>
      %min3A_716 = vector.broadcast %jit3A_713 : i32 to vector<16xi32>
      %min3A_717 = arith.minsi %min3A_716, %max3A_715 : vector<16xi32>
      %add3A_718 = arith.constant 13829 : i32
      %add3A_719 = vector.broadcast %add3A_718 : i32 to vector<16xi32>
      %add3A_720 = arith.addi %min3A_717, %add3A_719 : vector<16xi32>
      %gather3A_721 = tpu.vector_load_idx %arg10[%add3A_720] : memref<13848xf32, #tpu.memory_space<vmem>>[vector<16xi32>], vector<16xf32>,
      %add3A_722 = arith.addf %add3A_707, %gather3A_721 : vector<16xf32>
      %get3A_723 = arith.constant 12 : i32
      %get3A_724 = arith.index_cast %get3A_723 : i32 to index
      %get3A_725 = arith.index_cast %mul3A_78 : i32 to index
      %get3A_726 = tpu.vector_load %arg9[%get3A_724, %get3A_725] {strides = array<i32>} : memref<13x512xi32, #tpu.memory_space<vmem>>, vector<16xi32>,
      %jit3A_727 = arith.constant 0 : i32
      %jit3A_728 = arith.constant 7 : i32
      %max3A_729 = vector.broadcast %jit3A_727 : i32 to vector<16xi32>
      %max3A_730 = arith.maxsi %max3A_729, %get3A_726 : vector<16xi32>
      %min3A_731 = vector.broadcast %jit3A_728 : i32 to vector<16xi32>
      %min3A_732 = arith.minsi %min3A_731, %max3A_730 : vector<16xi32>
      %add3A_733 = arith.constant 13837 : i32
      %add3A_734 = vector.broadcast %add3A_733 : i32 to vector<16xi32>
      %add3A_735 = arith.addi %min3A_732, %add3A_734 : vector<16xi32>
      %gather3A_736 = tpu.vector_load_idx %arg10[%add3A_735] : memref<13848xf32, #tpu.memory_space<vmem>>[vector<16xi32>], vector<16xf32>,
      %add3A_737 = arith.addf %add3A_722, %gather3A_736 : vector<16xf32>
      %swap3A = arith.index_cast %mul3A_78 : i32 to index
      %swap3A_738 = tpu.vector_load %arg12[%swap3A] {strides = array<i32>} : memref<512xf32, #tpu.memory_space<vmem>>, vector<16xf32>,
      tpu.vector_store %arg12[%swap3A], %add3A_737 {strides = array<i32>} : memref<512xf32, #tpu.memory_space<vmem>>, vector<16xf32>,
    }
    %scan3A_75 = arith.constant 32 : i32
    "tpu.region"() ({
      %run_scoped3A = tpu.sem_alloc : memref<!tpu.dma_semaphore, #tpu.memory_space<semaphore_mem>>
      %dma_start3A_76 = tpu.memref_slice %arg6[%mul3A_2] : memref<16384xf32, #tpu.memory_space<hbm>> -> memref<512xf32, #tpu.memory_space<hbm>>
      %dma_start3A_77 = tpu.memref_slice %arg6[%mul3A_2] : memref<16384xf32, #tpu.memory_space<hbm>> -> memref<512xf32, #tpu.memory_space<hbm>>
      tpu.enqueue_dma source(%arg12 : memref<512xf32, #tpu.memory_space<vmem>>) target(%dma_start3A_77 : memref<512xf32, #tpu.memory_space<hbm>>) target_semaphore(%run_scoped3A : memref<!tpu.dma_semaphore, #tpu.memory_space<semaphore_mem>>)
      %dma_wait3A_78 = tpu.memref_slice %arg6[%mul3A_2] : memref<16384xf32, #tpu.memory_space<hbm>> -> memref<512xf32, #tpu.memory_space<hbm>>
      %dma_wait3A_79 = tpu.memref_slice %arg6[%mul3A_2] : memref<16384xf32, #tpu.memory_space<hbm>> -> memref<512xf32, #tpu.memory_space<hbm>>
      tpu.wait_dma2 semaphore(%run_scoped3A : memref<!tpu.dma_semaphore, #tpu.memory_space<semaphore_mem>>) src(%arg12 : memref<512xf32, #tpu.memory_space<vmem>>) dst(%dma_wait3A_79 : memref<512xf32, #tpu.memory_space<hbm>>)
      tpu.yield
    }) : () -> ()
    return
  }
}

</mosaic_0001>

<sc_bundles>
// kernel: kernel.3.cloned.1.call-start
scs
__scs_entry_jumppad:
0x0: {  	(pc) =	sbr.rel $0x88, $3  }
0x1: {  	(tag) =	ssettag $0x0;
	lr =	simm.s32 $0x1  }
0x2: {  	[smem:$0x3F9B] =	sst lr;
	_ =	strace $0xD0000000  }
0x3: {  	_ = 	snop  }
0x4: {  	_ = 	snop  }
0x5: {  	_ = 	snop  }
0x6: {  	_ = 	snop  }
0x7: {  	_ = 	snop  }
__scs_overlays_trampoline_lowered:
0x8: {  	[smem:$0x3FAA] =	sst s0  }
0x9: {  	[smem:$0x3FAB] =	sst s1  }
0xa: {  	[smem:$0x3FAC] =	sst s2  }
0xb: {  	[smem:$0x3FAD] =	sst s3  }
0xc: {  	[smem:$0x3FAE] =	sst s4  }
0xd: {  	[smem:$0x3FAF] =	sst s5  }
0xe: {  	[smem:$0x3FB0] =	sst s6  }
0xf: {  	[smem:$0x3FB1] =	sst s7  }
0x10: {  	[smem:$0x3FB2] =	sst s8  }
0x11: {  	[smem:$0x3FB3] =	sst s9;
	s0 =	simm.s32 @!p0 $0x0  }
0x12: {  	s1 =	sld [smem:$0x3F99];
	s0 =	simm.s32 @p0 $0x1  }
0x13: {  	[smem:$0x3FB4] =	sst s0;
	s0 =	simm.s32 @!p1 $0x0  }
0x14: {  	s2 =	sld [smem:$0x3F98];
	s0 =	simm.s32 @p1 $0x1  }
0x15: {  	[smem:$0x3FB5] =	sst s0;
	s0 =	simm.s32 @!p2 $0x0  }
0x16: {  	s3 =	sld [smem:$0x3FDB];
	s0 =	simm.s32 @p2 $0x1  }
0x17: {  	s4 =	simm.s32 $0x1BF5;
	[smem:$0x3FB7] =	sst s0  }
0x18: {  	s0 =	sld [smem:$0x3F9A];
	_ =	swait.ge [sflag:s4], $0x0  }
0x19: {  	s7 =	sld [smem:$0x3F9B]  }
0x1a: {  	s8 =	sadd.s32 $0xFFFFE003, lr  }
0x1b: {  	s9 =	sadd.s32 $0xFFFFFEF7, lr;
	s5 =	simm.s32 $0xFFFFFFFF;
	p2 =	slt.u32 s8, $0xFFFFF086  }
0x1c: {  	p1 =	slt.u32 s9, $0xF7A;
	s5 =	simm.s32 @!p2 $0x0  }
0x1d: {  	s5 =	simm.s32 @p1 $0x1;
	p0 =	seq.s32 s7, s2  }
0x1e: {  	s7 =	smul.u32 @!p0 $0xF7A, s2;
	p2 =	seq.s32 @!p0 s5, $0x0  }
0x1f: {  	s9 =	smul.u32 $0xF7A, s1;
	s8 =	simm.s32 @!p0 $0x1BF5;
	p2 =	por !p2, p0  }
0x20: {  	[sflag:s8] =	ssyncset.s32 @!p0 $0xFFFFF086;
	s6 =	sadd.s32 @!p0 s3, s7;
	s7 =	simm.s32 @!p0 $0x108  }
0x21: {  	s3 =	sadd.s32 s3, s9;
	s6 =	sadd.s32 @!p0 $0x88, s6;
	s7 =	simm.s32 @p2 $0x1082  }
0x22: {  	[simem:s7], [sflag:s8] =	dma.local @!p0 [hbm:s6], $0xF7A  }
0x23: {  	s9 =	sor.u32 $0xD0000000, s2;
	s6 =	simm.s32 $0x108;
	_ =	swait.ge @!p0 [sflag:s8], $0x0  }
0x24: {  	s3 =	sadd.s32 $0x88, s3;
	s6 =	simm.s32 @!p1 $0x1082;
	[sflag:s4] =	ssyncset.s32 $0xFFFFF086  }
0x25: {  	[simem:s6], [sflag:s4] =	dma.local [hbm:s3], $0xF7A  }
0x26: {  	[smem:$0x3F9B] =	sst s1;
	(tag) =	ssettag s2;
	_ =	strace s9  }
0x27: {  	s1 =	sld [smem:$0x3FAB]  }
0x28: {  	s2 =	sld [smem:$0x3FAC]  }
0x29: {  	s4 =	sld [smem:$0x3FAE]  }
0x2a: {  	p0 =	seq.s32 s5, $0x0;
	s5 =	sld [smem:$0x3FAF]  }
0x2b: {  	s6 =	sld [smem:$0x3FB0]  }
0x2c: {  	s7 =	sld [smem:$0x3FB1]  }
0x2d: {  	s3 =	simm.s32 $0x108;
	s8 =	sld [smem:$0x3FB2]  }
0x2e: {  	s3 =	simm.s32 @!p0 $0x1082;
	s9 =	sld [smem:$0x3FB3]  }
0x2f: {  	lr =	sadd.s32 s0, s3;
	s0 =	sld [smem:$0x3FAA]  }
0x30: {  	s3 =	sld [smem:$0x3FAD]  }
0x31: {  	[smem:$0x3FB6] =	sst s10  }
0x32: {  	s10 =	sld [smem:$0x3FB4];
	_ =	sdelay $0x3  }
0x33: {  	p0 =	seq.s32 s10, $0x1;
	s10 =	sld [smem:$0x3FB6];
	_ =	sdelay $0x3  }
0x34: {  	[smem:$0x3FB6] =	sst s10  }
0x35: {  	s10 =	sld [smem:$0x3FB5];
	_ =	sdelay $0x3  }
0x36: {  	p1 =	seq.s32 s10, $0x1;
	s10 =	sld [smem:$0x3FB6];
	_ =	sdelay $0x3  }
0x37: {  	[smem:$0x3FB6] =	sst s10  }
0x38: {  	s10 =	sld [smem:$0x3FB7]  }
0x39: {  	_ = 	snop;
	(pc) =	sbr.ind lr, $3  }
0x3a: {  	_ = 	snop  }
0x3b: {  	_ = 	snop  }
0x3c: {  	p2 =	seq.s32 s10, $0x1;
	s10 =	sld [smem:$0x3FB6]  }
0x3d: {  	_ =	shalt  }
0x3e: {  	_ =	shalt  }
0x3f: {  	_ =	shalt  }
0x40: {  	_ =	shalt  }
0x41: {  	_ =	shalt  }
0x42: {  	_ =	shalt  }
0x43: {  	_ =	shalt  }
0x44: {  	_ =	shalt  }
0x45: {  	_ =	shalt  }
0x46: {  	_ =	shalt  }
0x47: {  	_ =	shalt  }
0x48: {  	_ =	shalt  }
0x49: {  	_ =	shalt  }
0x4a: {  	_ =	shalt  }
0x4b: {  	_ =	shalt  }
0x4c: {  	_ =	shalt  }
0x4d: {  	_ =	shalt  }
0x4e: {  	_ =	shalt  }
0x4f: {  	_ =	shalt  }
0x50: {  	_ =	shalt  }
0x51: {  	_ =	shalt  }
0x52: {  	_ =	shalt  }
0x53: {  	_ =	shalt  }
0x54: {  	_ =	shalt  }
0x55: {  	_ =	shalt  }
0x56: {  	_ =	shalt  }
0x57: {  	_ =	shalt  }
0x58: {  	_ =	shalt  }
0x59: {  	_ =	shalt  }
0x5a: {  	_ =	shalt  }
0x5b: {  	_ =	shalt  }
0x5c: {  	_ =	shalt  }
0x5d: {  	_ =	shalt  }
0x5e: {  	_ =	shalt  }
0x5f: {  	_ =	shalt  }
0x60: {  	_ =	shalt  }
0x61: {  	_ =	shalt  }
0x62: {  	_ =	shalt  }
0x63: {  	_ =	shalt  }
0x64: {  	_ =	shalt  }
0x65: {  	_ =	shalt  }
0x66: {  	_ =	shalt  }
0x67: {  	_ =	shalt  }
0x68: {  	_ =	shalt  }
0x69: {  	_ =	shalt  }
0x6a: {  	_ =	shalt  }
0x6b: {  	_ =	shalt  }
0x6c: {  	_ =	shalt  }
0x6d: {  	_ =	shalt  }
0x6e: {  	_ =	shalt  }
0x6f: {  	_ =	shalt  }
0x70: {  	_ =	shalt  }
0x71: {  	_ =	shalt  }
0x72: {  	_ =	shalt  }
0x73: {  	_ =	shalt  }
0x74: {  	_ =	shalt  }
0x75: {  	_ =	shalt  }
0x76: {  	_ =	shalt  }
0x77: {  	_ =	shalt  }
0x78: {  	_ =	shalt  }
0x79: {  	_ =	shalt  }
0x7a: {  	_ =	shalt  }
0x7b: {  	_ =	shalt  }
0x7c: {  	_ =	shalt  }
0x7d: {  	_ =	shalt  }
0x7e: {  	_ =	shalt  }
0x7f: {  	_ =	shalt  }
0x80: {  	_ =	shalt  }
0x81: {  	_ =	shalt  }
0x82: {  	_ =	shalt  }
0x83: {  	_ =	shalt  }
0x84: {  	_ =	shalt  }
0x85: {  	_ =	shalt  }
0x86: {  	_ =	shalt  }
0x87: {  	_ =	shalt  }
.Lfunc_end0:
.L_simem_size_0:
called_computation_lowered:
.L_overlay_start_0:
0x88: {  	s2 =	sld [smem:$0x3FD9]  }
0x89: {  	s3 =	sld [smem:$0x3FFE];
	_ =	sdelay $0x1  }
0x8a: {  	s1 =	srdreg.scid  }
0x8b: {  	s0 =	sand.u32 $0x1, s1  }
0x8c: {  	s17 =	sshll.u32 s0, $0xA;
	s2 =	sadd.s32 s3, s2  }
0x8d: {  	s2 =	sadd.s32 s2, s17  }
0x8e: {  	[smem:$0x3FC2] =	sst s2  }
0x8f: {  	_ = 	snop  }
0x90: {  	s2 =	sld [smem:$0x3FD0];
	(tm) =	ssettm $0x1  }
0x91: {  	s18 =	sld [smem:$0x3FFB];
	_ =	sdelay $0x3  }
0x92: {  	_ =	strace s18  }
0x93: {  	s3 =	sld [smem:$0x3FFC];
	_ =	sdelay $0x3  }
0x94: {  	_ =	strace s3  }
0x95: {  	s3 =	sld [smem:$0x3FFD];
	_ =	sdelay $0x3  }
0x96: {  	_ =	strace s3  }
0x97: {  	_ =	strace $0x8FFFFFFF  }
0x98: {  	s19 =	sld [smem:$0x3FDB];
	_ =	sdelay $0x1  }
0x99: {  	s4 =	simm.s32 $_scs_section_size  }
0x9a: {  	s5 =	simm.s32 $_size__tile_overlayer_lowered;
	s6 =	simm.s32 $_tile_overlayer_lowered  }
0x9b: {  	s22 =	simm.s32 $0x1BFF;
	s21 =	sshll.u32 s6, $0x1;
	s3 =	sadd.s32 s4, s19  }
0x9c: {  	s7 =	simm.s32 $0x0;
	s20 =	sshll.u32 s5, $0x1;
	s5 =	sadd.s32 s21, s3  }
0x9d: {  	[timem:s7], [sflag:s22] =	dma.local [hbm:s5], s20  }
0x9e: {  	_ =	swait.ge [sflag:s22], s20  }
0x9f: {  	s4 =	ssub.s32 $0x0, s20;
	[sflag:s22] =	ssyncset.done $0x0  }
0xa0: {  	[sflag:s22] =	ssyncadd.s32 s4;
	_ =	sdelay $0x1  }
0xa1: {  	s23 =	simm.s32 $0x1B8B  }
0xa2: {  	_ =	swait.ge [sflag:s23], $0x1  }
0xa3: {  	[sflag:s23] =	ssyncset.done $0x0  }
0xa4: {  	s25 =	simm.s32 $0x1B8E;
	s24 =	sld [smem:$0x3FFE];
	[sflag:s23] =	ssyncadd.s32 $0xFFFFFFFF  }
0xa5: {  	s26 =	simm.s32 $execute0_lowered;
	[smem:$0x3FD2] =	sst s25  }
0xa6: {  	s5 =	sshll.u32 s26, $0x1;
	_ =	strace $0x80000046;
	[dreg:$0x1] =	wrdreg $0xFFFFFFFF  }
0xa7: {  	s28 =	simm.s32 $_size_execute0_lowered;
	s3 =	sadd.s32 s3, s5;
	[dreg:$0x0] =	wrdreg $0x0  }
0xa8: {  	s5 =	sshll.u32 s28, $0x1;
	[dreg:$0x2] =	wrdreg s3  }
0xa9: {  	[dreg:$0x3] =	wrdreg s5  }
0xaa: {  	[dreg:$0x4] =	wrdreg $0xC0  }
0xab: {  	_ =	task [dreg:s7], $0x5FFFF  }
0xac: {  	[dreg:$0x1] =	wrdreg $0xFFFFFFFF  }
0xad: {  	[dreg:$0x0] =	wrdreg $0x60  }
0xae: {  	[dreg:$0x2] =	wrdreg s24  }
0xaf: {  	[dreg:$0x3] =	wrdreg s2  }
0xb0: {  	[dreg:$0x4] =	wrdreg $0x9  }
0xb1: {  	_ =	task.clear_ibuf [dreg:s7], $0x5FFFF;
	_ =	strace $0x90000046  }
0xb2: {  	s29 =	simm.s32 $0x9;
	_ =	strace $0x80000048  }
0xb3: {  	_ =	swait.ge [sflag:s29], $0x1  }
0xb4: {  	[sflag:s29] =	ssyncadd.s32 $0xFFFFFFFF  }
0xb5: {  	_ =	strace $0x90000048  }
0xb6: {  	_ =	sfence  }
0xb7: {  	s30 =	sld [smem:$0x0];
	_ =	sdelay $0x2  }
0xb8: {  	s31 =	sshll.u32 s1, $0xD;
	s1 =	sshrl.u32 s1, $0x2  }
0xb9: {  	s3 =	sand.u32 $0x4000, s31;
	s1 =	sadd.s32 s1, s30  }
0xba: {  	s0 =	sor.u32 s3, s0;
	s1 =	sshll.u32 s1, $0x11  }
0xbb: {  	s0 =	sor.u32 s1, s0  }
0xbc: {  	s0 =	sadd.s32 $0x8F2B, s0  }
0xbd: {  	[sflag:s0] =	ssyncadd.remote.s32 $0x1  }
0xbe: {  	_ =	sfence.sel $0xFFFF  }
0xbf: {  	[dreg:$0x0] =	wrdreg $0xFFFFFFFF;
	(pc) =	sbr.abs _section_cstart, $3  }
0xc0: {  	[dreg:$0x1] =	wrdreg $0xFFFFFFFF  }
0xc1: {  	_ =	task.clear_ibuf [dreg:s7], $0x2FFFF;
	_ =	strace $0x9FFFFFFF  }
0xc2: {  	(tm) =	ssettm $0x7FFFFFFF  }
0xc3: {  	_ =	shalt  }
tec
execute0_lowered:
.L_overlay_start_1:
0x0: {  	(tag) =	ssettag $0x1  }
0x1: {  	s3 =	rddreg [dreg:$0x0]  }
0x2: {  	s7 =	rddreg [dreg:$0x1];
	s2 =	srdreg.scid  }
0x3: {  	s0 =	rddreg [dreg:$0x2];
	s1 =	stileid.u32;
	s10 =	simm.s32 $0x200  }
0x4: {  	s11 =	simm.s32 $0x4000;
	s12 =	simm.s32 $0x1A00;
	s13 =	simm.s32 $0x4E00  }
0x5: {  	v0 =	vlaneseq.u32;
	v8 =	vimm.s32 $0x3615;
	s14 =	simm.s32 $0x1;
	s15 =	simm.s32 $0x2;
	s16 =	simm.s32 $0x9E18  }
0x6: {  	v9 =	vimm.s32 $0x3400;
	v10 =	vimm.s32 $0x3401;
	v11 =	vimm.s32 $0x3402;
	s17 =	simm.s32 $0xA158;
	s18 =	simm.s32 $0x3;
	s19 =	simm.s32 $0x0  }
0x7: {  	v12 =	vimm.s32 $0x3403;
	v13 =	vimm.s32 $0x3404;
	v14 =	vimm.s32 $0x3405;
	s4 =	sand.u32 $0x1, s2;
	s2 =	simm.s32 $0x0;
	s5 =	sshll.u32 s1, $0x7  }
0x8: {  	v15 =	vimm.s32 $0x3406;
	v16 =	vimm.s32 $0x3407;
	v0 =	vmul.u32 $0x10, v0;
	s6 =	sshll.u32 s4, $0x6;
	[smem:$0x7FF] =	sst s2;
	s4 =	ssub.s32 $0x2, s4  }
0x9: {  	v17 =	vimm.s32 $0x3408;
	v18 =	vimm.s32 $0x3409;
	v19 =	vimm.s32 $0x340A;
	s8 =	sor.u32 s6, s5;
	_ =	strace $0x80000047;
	s31 =	sshrl.u32 s4, $0x1  }
0xa: {  	v20 =	vimm.s32 $0x340B;
	v21 =	vimm.s32 $0x340C;
	v1 =	vor.u32 $0x1, v0;
	s6 =	sadd.s32 s8, s3;
	s3 =	sadd.s32 $0x1A800, s3;
	s9 =	ssub.s32 s4, s31  }
0xb: {  	v2 =	vor.u32 $0x2, v0;
	v3 =	vor.u32 $0x3, v0;
	v4 =	vor.u32 $0x4, v0;
	s7 =	sadd.s32 s7, s8;
	s4 =	sadd.s32 $0x800, s6;
	s5 =	sadd.s32 $0xD800, s6  }
0xc: {  	v5 =	vor.u32 $0x5, v0;
	v6 =	vor.u32 $0x6, v0;
	v7 =	vor.u32 $0x7, v0;
	s6 =	sadd.s32 $0x7000, s6;
	s8 =	smax.u32 s9, $0x1;
	s9 =	simm.s32 $0x6800  }
.LBB2_1:
0xd: {  	[tilespmem:s9], [sflag:$0x1] =	stream.linear.gather [hbm4b:s3+s2], $0x3618, $0x38;
	[tilespmem:$0xA358] =	vst v63  }
0xe: {  	_ = 	snop  }
0xf: {  	[tilespmem:s2], [sflag:$0x2] =	stream.strided.gather [hbm4b:s4+s10], $0x1A00, s11, s10, $0x38;
	[tilespmem:$0xA358] =	vst v63  }
0x10: {  	s20 =	simm.s32 $0x10E  }
0x11: {  	[tilespmem:s12], [sflag:$0x2] =	stream.strided.gather [hbm4b:s5+s10], $0x3400, s11, s10, $0x38;
	[tilespmem:$0xA358] =	vst v63  }
0x12: {  	s21 =	simm.s32 $0xE;
	s29 =	simm.s32 $0xD;
	v22 =	vor.u32 s20, v6  }
0x13: {  	v23 =	vor.u32 s21, v6;
	[tilespmem:s13], [sflag:$0x2] =	stream.strided.gather [hbm4b:s6+s10], $0x1A00, s11, s10, $0x38;
	[tilespmem:$0xA358] =	vst v63  }
0x14: {  	s30 =	simm.s32 $0x103;
	v24 =	vor.u32 s29, v5;
	_ =	swait.ge [sflag:s14], $0x3618  }
0x15: {  	s22 =	simm.s32 $0x102;
	v26 =	vor.u32 s30, v3;
	[sflag:s14] =	ssyncset.done $0x0  }
0x16: {  	s20 =	simm.s32 $0x0;
	v27 =	vor.u32 s22, v2;
	[sflag:s14] =	ssyncadd.s32 $0xFFFFC9E8  }
0x17: {  	s31 =	simm.s32 $0x100;
	v28 =	vor.u32 s20, v2;
	v22 =	vld.idx.msk [tilespmem:v22+s9+$0x0], $0xffff  }
0x18: {  	v25 =	vmov s2;
	v29 =	vor.u32 s31, v0;
	v23 =	vld.idx.msk [tilespmem:v23+s9+$0x0], $0xffff  }
0x19: {  	v30 =	vadd.s32 $0x3410, v25;
	v24 =	vld.idx.msk [tilespmem:v24+s9+$0x0], $0xffff  }
0x1a: {  	v31 =	vor.u32 s20, v4;
	v26 =	vld.idx.msk [tilespmem:v26+s9+$0x0], $0xffff  }
0x1b: {  	v32 =	vor.u32 s20, v3;
	v27 =	vld.idx.msk [tilespmem:v27+s9+$0x0], $0xffff  }
0x1c: {  	v33 =	vor.u32 $0x340F, v25;
	v28 =	vld.idx.msk [tilespmem:v28+s9+$0x0], $0xffff  }
0x1d: {  	v34 =	vadd.s32 $0x3411, v25;
	v29 =	vld.idx.msk [tilespmem:v29+s9+$0x0], $0xffff  }
0x1e: {  	v35 =	vor.u32 $0x340D, v25;
	v30 =	vld.idx.msk [tilespmem:v30+s9+$0x0], $0xffff  }
0x1f: {  	v36 =	vor.u32 s20, v1;
	v31 =	vld.idx.msk [tilespmem:v31+s9+$0x0], $0xffff  }
0x20: {  	v37 =	vor.u32 s20, v0;
	v32 =	vld.idx.msk [tilespmem:v32+s9+$0x0], $0xffff  }
0x21: {  	v38 =	vor.u32 $0x340E, v25;
	s22 =	simm.s32 $0x104;
	v33 =	vld.idx.msk [tilespmem:v33+s9+$0x0], $0xffff  }
0x22: {  	s23 =	simm.s32 $0x101;
	v39 =	vor.u32 s22, v4;
	v34 =	vld.idx.msk [tilespmem:v34+s9+$0x0], $0xffff  }
0x23: {  	s24 =	simm.s32 $0x10B;
	v40 =	vor.u32 s23, v1;
	v35 =	vld.idx.msk [tilespmem:v35+s9+$0x0], $0xffff  }
0x24: {  	s25 =	simm.s32 $0x10A;
	v41 =	vor.u32 s24, v3;
	v36 =	vld.idx.msk [tilespmem:v36+s9+$0x0], $0xffff  }
0x25: {  	s26 =	simm.s32 $0x109;
	v42 =	vor.u32 s25, v2;
	v37 =	vld.idx.msk [tilespmem:v37+s9+$0x0], $0xffff  }
0x26: {  	s28 =	simm.s32 $0x108;
	v43 =	vor.u32 s26, v1;
	v38 =	vld.idx.msk [tilespmem:v38+s9+$0x0], $0xffff  }
0x27: {  	v44 =	vor.u32 s28, v0;
	s30 =	simm.s32 $0x106;
	v39 =	vld.idx.msk [tilespmem:v39+s9+$0x0], $0xffff  }
0x28: {  	s31 =	simm.s32 $0x105;
	v46 =	vor.u32 s30, v6;
	v40 =	vld.idx.msk [tilespmem:v40+s9+$0x0], $0xffff  }
0x29: {  	v47 =	vor.u32 s31, v5;
	v41 =	vld.idx.msk [tilespmem:v41+s9+$0x0], $0xffff  }
0x2a: {  	v49 =	vor.u32 s20, v5;
	v42 =	vld.idx.msk [tilespmem:v42+s9+$0x0], $0xffff  }
0x2b: {  	v59 =	vor.u32 s20, v6;
	v43 =	vld.idx.msk [tilespmem:v43+s9+$0x0], $0xffff  }
0x2c: {  	s29 =	simm.s32 $0x107;
	v48 =	vadd.s32 $0x3412, v25;
	v44 =	vld.idx.msk [tilespmem:v44+s9+$0x0], $0xffff;
	v29 =	vmul.f32 v29, v35  }
0x2d: {  	v45 =	vor.u32 s29, v7;
	v46 =	vld.idx.msk [tilespmem:v46+s9+$0x0], $0xffff;
	v35 =	vmul.f32 v37, v35  }
0x2e: {  	v50 =	vadd.s32 $0x3413, v25;
	v60 =	vld.idx.msk [tilespmem:v47+s9+$0x0], $0xffff;
	v40 =	vmul.f32 v40, v38;
	v29 =	vadd.f32 $0.0e+00, v29  }
0x2f: {  	v51 =	vadd.s32 $0x3414, v25;
	v52 =	vld.idx.msk [tilespmem:v49+s9+$0x0], $0xffff;
	v36 =	vmul.f32 v36, v38;
	v35 =	vadd.f32 $0.0e+00, v35  }
0x30: {  	v61 =	vor.u32 s20, v7;
	v55 =	vld.idx.msk [tilespmem:v59+s9+$0x0], $0xffff;
	v27 =	vmul.f32 v27, v33;
	v29 =	vadd.f32 v40, v29  }
0x31: {  	v54 =	vadd.s32 $0x3416, v25;
	v28 =	vmul.f32 v28, v33;
	v40 =	vld.idx.msk [tilespmem:v48+s9+$0x0], $0xffff;
	v63 =	vadd.f32 v36, v35  }
0x32: {  	v62 =	vadd.s32 $0x3415, v25;
	s22 =	simm.s32 $0x8;
	v37 =	vld.idx.msk [tilespmem:v45+s9+$0x0], $0xffff;
	v26 =	vmul.f32 v26, v30;
	v27 =	vadd.f32 v27, v29  }
0x33: {  	v53 =	vor.u32 s22, v0;
	v30 =	vmul.f32 v32, v30;
	v29 =	vld.idx.msk [tilespmem:v50+s9+$0x0], $0xffff;
	v28 =	vadd.f32 v28, v63  }
0x34: {  	s23 =	simm.s32 $0x9;
	v58 =	vadd.s32 $0x3417, v25;
	v56 =	vmul.f32 v39, v34;
	v26 =	vadd.f32 v26, v27;
	v27 =	vld.idx.msk [tilespmem:v51+s9+$0x0], $0xffff  }
0x35: {  	v57 =	vor.u32 s23, v1;
	v31 =	vmul.f32 v31, v34;
	v28 =	vadd.f32 v30, v28;
	v30 =	vld.idx.msk [tilespmem:v61+s9+$0x0], $0xffff  }
0x36: {  	s24 =	simm.s32 $0xA;
	v48 =	vadd.s32 $0x3418, v25;
	v51 =	vld.idx.msk [tilespmem:v54+s9+$0x0], $0xffff;
	v59 =	vmul.f32 v60, v40;
	v26 =	vadd.f32 v56, v26  }
0x37: {  	s25 =	simm.s32 $0xB;
	v61 =	vor.u32 s24, v2;
	v60 =	vld.idx.msk [tilespmem:v62+s9+$0x0], $0xffff;
	v28 =	vadd.f32 v31, v28;
	v31 =	vmul.f32 v52, v40  }
0x38: {  	s26 =	simm.s32 $0xC;
	v63 =	vor.u32 s25, v3;
	v62 =	vld.idx.msk [tilespmem:v53+s9+$0x0], $0xffff;
	v50 =	vmul.f32 v46, v29;
	v26 =	vadd.f32 v59, v26  }
0x39: {  	v52 =	vor.u32 s26, v4;
	v29 =	vmul.f32 v55, v29;
	v55 =	vld.idx.msk [tilespmem:v58+s9+$0x0], $0xffff;
	v28 =	vadd.f32 v31, v28  }
0x3a: {  	s28 =	simm.s32 $0x10C;
	v53 =	vadd.s32 $0x3419, v25;
	v31 =	vld.idx.msk [tilespmem:v57+s9+$0x0], $0xffff;
	v54 =	vmul.f32 v37, v27;
	v26 =	vadd.f32 v50, v26  }
0x3b: {  	v58 =	vld.idx.msk [tilespmem:v48+s9+$0x0], $0xffff;
	v27 =	vmul.f32 v30, v27;
	v30 =	vor.u32 s28, v4;
	v28 =	vadd.f32 v29, v28  }
0x3c: {  	s29 =	simm.s32 $0x10D;
	v56 =	vadd.s32 $0x341A, v25;
	v38 =	vld.idx.msk [tilespmem:v61+s9+$0x0], $0xffff;
	v29 =	vmul.f32 v44, v60;
	v26 =	vadd.f32 v54, v26  }
0x3d: {  	s31 =	simm.s32 $0xF;
	v57 =	vld.idx.msk [tilespmem:v63+s9+$0x0], $0xffff;
	v59 =	vor.u32 s29, v5;
	v27 =	vadd.f32 v27, v28;
	v28 =	vmul.f32 v62, v60  }
0x3e: {  	v34 =	vor.u32 s31, v7;
	v60 =	vadd.s32 $0x341B, v25;
	v26 =	vadd.f32 v29, v26;
	v29 =	vld.idx.msk [tilespmem:v52+s9+$0x0], $0xffff  }
0x3f: {  	s30 =	simm.s32 $0x10F;
	v61 =	vmul.f32 v43, v51;
	v31 =	vmul.f32 v31, v51;
	v27 =	vadd.f32 v28, v27;
	v28 =	vld.idx.msk [tilespmem:v53+s9+$0x0], $0xffff  }
0x40: {  	v32 =	vor.u32 s30, v7;
	v62 =	vmul.f32 v42, v55;
	v25 =	vadd.s32 $0x341C, v25;
	v30 =	vld.idx.msk [tilespmem:v30+s9+$0x0], $0xffff  }
0x41: {  	v37 =	vmul.f32 v38, v55;
	v26 =	vadd.f32 v61, v26;
	v63 =	vadd.f32 v31, v27;
	v27 =	vld.idx.msk [tilespmem:v56+s9+$0x0], $0xffff  }
0x42: {  	s21 =	simm.s32 $0x9E28;
	v35 =	vmul.f32 v41, v58;
	v31 =	vld.idx.msk [tilespmem:v59+s9+$0x0], $0xffff  }
0x43: {  	s23 =	simm.s32 $0x0;
	s20 =	simm.s32 $0x9E28;
	s22 =	simm.s32 $0x30F;
	v33 =	vadd.f32 v62, v26;
	v36 =	vadd.f32 v37, v63;
	v37 =	vmul.f32 v57, v58;
	v26 =	vld.idx.msk [tilespmem:v60+s9+$0x0], $0xffff  }
.LBB2_2:
0x44: {  	p0 =	sne.s32 s22, $0x330F;
	v34 =	vld.idx.msk [tilespmem:v34+s9+$0x0], $0xffff;
	s23 =	sadd.s32 $0x10, s23;
	s21 =	sadd.s32 $0x20, s21  }
0x45: {  	v29 =	vmul.f32 v29, v28;
	s24 =	smov.u32 s22;
	s22 =	sadd.s32 $0x200, s22;
	v36 =	vadd.f32 v37, v36;
	v25 =	vld.idx.msk [tilespmem:v25+s9+$0x0], $0xffff  }
0x46: {  	v33 =	vadd.f32 v35, v33;
	v28 =	vmul.f32 v30, v28;
	v30 =	vld.idx.msk [tilespmem:v32+s9+$0x0], $0xffff  }
0x47: {  	v24 =	vmul.f32 v24, v27;
	v29 =	vadd.f32 v29, v36  }
0x48: {  	v28 =	vadd.f32 v28, v33;
	v27 =	vmul.f32 v31, v27  }
0x49: {  	v23 =	vmul.f32 v23, v26;
	v24 =	vadd.f32 v24, v29  }
0x4a: {  	v22 =	vmul.f32 v22, v26;
	v27 =	vadd.f32 v27, v28  }
0x4b: {  	s25 =	sadd.s32 $0xFFFFFFFF, s24;
	v23 =	vadd.f32 v23, v24;
	v24 =	vmul.f32 v34, v25  }
0x4c: {  	s26 =	sadd.s32 $0xFFFFFEFF, s24;
	v26 =	vor.u32 s25, v6;
	v22 =	vadd.f32 v22, v27;
	v25 =	vmul.f32 v30, v25  }
0x4d: {  	s25 =	sadd.s32 $0xFFFFFEFE, s24;
	v27 =	vor.u32 s26, v6;
	v23 =	vadd.f32 v24, v23  }
0x4e: {  	s26 =	sadd.s32 $0xFFFFFFF4, s24;
	v24 =	vor.u32 s25, v5;
	v22 =	vadd.f32 v25, v22  }
0x4f: {  	s25 =	sadd.s32 $0xFFFFFFF3, s24;
	v25 =	vor.u32 s26, v3;
	[tilespmem:s20+$0xFFFFFFF0] =	vst v23  }
0x50: {  	s28 =	sadd.s32 $0xFFFFFFF1, s24;
	v30 =	vmov s23;
	s26 =	sadd.s32 $0xFFFFFEF1, s24;
	v28 =	vor.u32 s25, v2;
	[tilespmem:s20+$0x0] =	vst v22;
	s20 =	smov.u32 s21  }
0x51: {  	v29 =	vor.u32 s28, v0;
	v31 =	vor.u32 s26, v2;
	v32 =	vor.u32 s26, v4;
	v22 =	vld.idx.msk [tilespmem:v26+s9+$0x0], $0xffff  }
0x52: {  	v33 =	vor.u32 $0x340D, v30;
	v35 =	vor.u32 $0x340E, v30;
	v34 =	vor.u32 s26, v0;
	v23 =	vld.idx.msk [tilespmem:v27+s9+$0x0], $0xffff  }
0x53: {  	v37 =	vor.u32 $0x340F, v30;
	v36 =	vor.u32 s26, v1;
	v26 =	vadd.s32 $0x3410, v30;
	v24 =	vld.idx.msk [tilespmem:v24+s9+$0x0], $0xffff  }
0x54: {  	v40 =	vadd.s32 $0x3411, v30;
	v41 =	vadd.s32 $0x3412, v30;
	v38 =	vor.u32 s26, v3;
	v39 =	vld.idx.msk [tilespmem:v25+s9+$0x0], $0xffff  }
0x55: {  	v44 =	vadd.s32 $0x3413, v30;
	v43 =	vor.u32 s26, v5;
	v45 =	vor.u32 s26, v6;
	v42 =	vld.idx.msk [tilespmem:v28+s9+$0x0], $0xffff  }
0x56: {  	v46 =	vadd.s32 $0x3414, v30;
	v48 =	vadd.s32 $0x3415, v30;
	v47 =	vor.u32 s26, v7;
	v31 =	vld.idx.msk [tilespmem:v31+s9+$0x0], $0xffff  }
0x57: {  	v50 =	vadd.s32 $0x3416, v30;
	v51 =	vadd.s32 $0x3417, v30;
	v49 =	vld.idx.msk [tilespmem:v29+s9+$0x0], $0xffff;
	v29 =	vadd.s32 $0x3418, v30  }
0x58: {  	v27 =	vadd.s32 $0x341A, v30;
	v28 =	vadd.s32 $0x3419, v30;
	v52 =	vld.idx.msk [tilespmem:v26+s9+$0x0], $0xffff;
	v26 =	vadd.s32 $0x341B, v30  }
0x59: {  	v25 =	vadd.s32 $0x341C, v30;
	v32 =	vld.idx.msk [tilespmem:v32+s9+$0x0], $0xffff  }
0x5a: {  	v30 =	vld.idx.msk [tilespmem:v38+s9+$0x0], $0xffff  }
0x5b: {  	s25 =	sadd.s32 $0xFFFFFFF5, s24;
	v37 =	vld.idx.msk [tilespmem:v37+s9+$0x0], $0xffff  }
0x5c: {  	s26 =	sadd.s32 $0xFFFFFFF2, s24;
	v38 =	vld.idx.msk [tilespmem:v40+s9+$0x0], $0xffff;
	v40 =	vor.u32 s25, v4  }
0x5d: {  	v53 =	vor.u32 s26, v1;
	s25 =	sadd.s32 $0xFFFFFFFC, s24;
	v33 =	vld.idx.msk [tilespmem:v33+s9+$0x0], $0xffff  }
0x5e: {  	s26 =	sadd.s32 $0xFFFFFFFB, s24;
	v54 =	vor.u32 s25, v3;
	v36 =	vld.idx.msk [tilespmem:v36+s9+$0x0], $0xffff  }
0x5f: {  	v55 =	vor.u32 s26, v2;
	s25 =	sadd.s32 $0xFFFFFFFA, s24;
	v34 =	vld.idx.msk [tilespmem:v34+s9+$0x0], $0xffff  }
0x60: {  	s26 =	sadd.s32 $0xFFFFFFF9, s24;
	v56 =	vor.u32 s25, v1;
	v35 =	vld.idx.msk [tilespmem:v35+s9+$0x0], $0xffff  }
0x61: {  	v57 =	vor.u32 s26, v0;
	s25 =	sadd.s32 $0xFFFFFFF8, s24;
	v40 =	vld.idx.msk [tilespmem:v40+s9+$0x0], $0xffff  }
0x62: {  	s26 =	sadd.s32 $0xFFFFFFF7, s24;
	v58 =	vor.u32 s25, v7;
	v42 =	vmul.f32 v42, v37;
	v53 =	vld.idx.msk [tilespmem:v53+s9+$0x0], $0xffff  }
0x63: {  	s25 =	sadd.s32 $0xFFFFFFF6, s24;
	v31 =	vmul.f32 v31, v37;
	v37 =	vor.u32 s26, v6;
	v54 =	vld.idx.msk [tilespmem:v54+s9+$0x0], $0xffff  }
0x64: {  	v59 =	vor.u32 s25, v5;
	v32 =	vmul.f32 v32, v38;
	v55 =	vld.idx.msk [tilespmem:v55+s9+$0x0], $0xffff  }
0x65: {  	v39 =	vmul.f32 v39, v52;
	v30 =	vmul.f32 v30, v52;
	v52 =	vld.idx.msk [tilespmem:v56+s9+$0x0], $0xffff  }
0x66: {  	v49 =	vmul.f32 v49, v33;
	v36 =	vmul.f32 v36, v35;
	v56 =	vld.idx.msk [tilespmem:v57+s9+$0x0], $0xffff  }
0x67: {  	v33 =	vmul.f32 v34, v33;
	v34 =	vmul.f32 v40, v38;
	v38 =	vld.idx.msk [tilespmem:v58+s9+$0x0], $0xffff  }
0x68: {  	v40 =	vadd.f32 $0.0e+00, v49;
	v35 =	vmul.f32 v53, v35;
	v37 =	vld.idx.msk [tilespmem:v37+s9+$0x0], $0xffff  }
0x69: {  	v33 =	vadd.f32 $0.0e+00, v33;
	v49 =	vld.idx.msk [tilespmem:v59+s9+$0x0], $0xffff  }
0x6a: {  	v35 =	vadd.f32 v35, v40;
	v40 =	vld.idx.msk [tilespmem:v41+s9+$0x0], $0xffff  }
0x6b: {  	s25 =	sadd.s32 $0xFFFFFEF9, s24;
	v33 =	vadd.f32 v36, v33;
	v36 =	vld.idx.msk [tilespmem:v43+s9+$0x0], $0xffff  }
0x6c: {  	v35 =	vadd.f32 v42, v35;
	v42 =	vor.u32 s25, v0;
	v41 =	vld.idx.msk [tilespmem:v44+s9+$0x0], $0xffff  }
0x6d: {  	v31 =	vadd.f32 v31, v33;
	s25 =	sadd.s32 $0xFFFFFEFA, s24;
	v33 =	vld.idx.msk [tilespmem:v45+s9+$0x0], $0xffff  }
0x6e: {  	v43 =	vor.u32 s25, v1;
	v35 =	vadd.f32 v39, v35;
	v39 =	vld.idx.msk [tilespmem:v46+s9+$0x0], $0xffff  }
0x6f: {  	v30 =	vadd.f32 v30, v31;
	s25 =	sadd.s32 $0xFFFFFEFB, s24;
	v31 =	vld.idx.msk [tilespmem:v47+s9+$0x0], $0xffff  }
0x70: {  	v45 =	vor.u32 s25, v2;
	s25 =	sadd.s32 $0xFFFFFEFC, s24;
	v34 =	vadd.f32 v34, v35;
	v35 =	vmul.f32 v49, v40;
	v44 =	vld.idx.msk [tilespmem:v48+s9+$0x0], $0xffff  }
0x71: {  	v30 =	vadd.f32 v32, v30;
	v32 =	vmul.f32 v36, v40;
	v40 =	vor.u32 s25, v3;
	v36 =	vld.idx.msk [tilespmem:v42+s9+$0x0], $0xffff  }
0x72: {  	s25 =	sadd.s32 $0xFFFFFEFD, s24;
	v34 =	vadd.f32 v35, v34;
	v35 =	vmul.f32 v37, v41;
	v37 =	vld.idx.msk [tilespmem:v50+s9+$0x0], $0xffff  }
0x73: {  	v30 =	vadd.f32 v32, v30;
	v32 =	vmul.f32 v33, v41;
	v41 =	vor.u32 s25, v4;
	v33 =	vld.idx.msk [tilespmem:v43+s9+$0x0], $0xffff  }
0x74: {  	s25 =	sadd.s32 $0xFFFFFFFD, s24;
	v34 =	vadd.f32 v35, v34;
	v35 =	vmul.f32 v38, v39;
	v38 =	vld.idx.msk [tilespmem:v51+s9+$0x0], $0xffff  }
0x75: {  	v30 =	vadd.f32 v32, v30;
	v31 =	vmul.f32 v31, v39;
	v39 =	vor.u32 s25, v4;
	v32 =	vld.idx.msk [tilespmem:v45+s9+$0x0], $0xffff  }
0x76: {  	s25 =	sadd.s32 $0xFFFFFFFE, s24;
	v34 =	vadd.f32 v35, v34;
	v35 =	vmul.f32 v56, v44;
	v40 =	vld.idx.msk [tilespmem:v40+s9+$0x0], $0xffff  }
0x77: {  	v30 =	vadd.f32 v31, v30;
	v31 =	vmul.f32 v36, v44;
	v36 =	vor.u32 s25, v5;
	v42 =	vld.idx.msk [tilespmem:v29+s9+$0x0], $0xffff  }
0x78: {  	s25 =	sadd.s32 $0xFFFFFF00, s24;
	v35 =	vadd.f32 v35, v34;
	v43 =	vmul.f32 v52, v37;
	v29 =	vld.idx.msk [tilespmem:v41+s9+$0x0], $0xffff  }
.Ltmp0:
0x79: {  	v34 =	vor.u32 s25, v7;
	v31 =	vadd.f32 v31, v30;
	v33 =	vmul.f32 v33, v37;
	v28 =	vld.idx.msk [tilespmem:v28+s9+$0x0], $0xffff;
	(pc) =	sbr.rel @p0 .LBB2_2-.Ltmp0, $4  }
0x7a: {  	v35 =	vadd.f32 v43, v35;
	v37 =	vmul.f32 v55, v38;
	v30 =	vld.idx.msk [tilespmem:v39+s9+$0x0], $0xffff  }
0x7b: {  	v39 =	vadd.f32 v33, v31;
	v38 =	vmul.f32 v32, v38;
	v32 =	vor.u32 s24, v7;
	v27 =	vld.idx.msk [tilespmem:v27+s9+$0x0], $0xffff  }
0x7c: {  	v33 =	vadd.f32 v37, v35;
	v31 =	vld.idx.msk [tilespmem:v36+s9+$0x0], $0xffff  }
0x7d: {  	v36 =	vadd.f32 v38, v39;
	v37 =	vmul.f32 v40, v42;
	v35 =	vmul.f32 v54, v42;
	v26 =	vld.idx.msk [tilespmem:v26+s9+$0x0], $0xffff  }
0x7e: {  	_ =	sdelay $0x3  }
0x7f: {  	v34 =	vld.idx.msk [tilespmem:v34+s9+$0x0], $0xffff;
	v29 =	vmul.f32 v29, v28;
	v36 =	vadd.f32 v37, v36  }
0x80: {  	v25 =	vld.idx.msk [tilespmem:v25+s9+$0x0], $0xffff;
	v33 =	vadd.f32 v35, v33;
	v28 =	vmul.f32 v30, v28  }
0x81: {  	v30 =	vld.idx.msk [tilespmem:v32+s9+$0x0], $0xffff;
	v24 =	vmul.f32 v24, v27;
	v29 =	vadd.f32 v29, v36  }
0x82: {  	v28 =	vadd.f32 v28, v33;
	v27 =	vmul.f32 v31, v27  }
0x83: {  	v23 =	vmul.f32 v23, v26;
	v24 =	vadd.f32 v24, v29  }
0x84: {  	v22 =	vmul.f32 v22, v26;
	v27 =	vadd.f32 v27, v28  }
0x85: {  	v23 =	vadd.f32 v23, v24;
	v24 =	vmul.f32 v34, v25  }
0x86: {  	v22 =	vadd.f32 v22, v27;
	v25 =	vmul.f32 v30, v25  }
0x87: {  	v23 =	vadd.f32 v24, v23  }
0x88: {  	v22 =	vadd.f32 v25, v22  }
0x89: {  	[tilespmem:s20+$0xFFFFFFF0] =	vst v23  }
0x8a: {  	[tilespmem:s20+$0x0] =	vst v22  }
0x8b: {  	v33 =	vld.idx.msk [tilespmem:v8+s9+$0x0], $0xffff  }
0x8c: {  	v35 =	vld.idx.msk [tilespmem:v9+s9+$0x0], $0xffff  }
0x8d: {  	v34 =	vld.idx.msk [tilespmem:v10+s9+$0x0], $0xffff  }
0x8e: {  	v32 =	vld.idx.msk [tilespmem:v11+s9+$0x0], $0xffff  }
0x8f: {  	v31 =	vld.idx.msk [tilespmem:v12+s9+$0x0], $0xffff  }
0x90: {  	v30 =	vld.idx.msk [tilespmem:v13+s9+$0x0], $0xffff  }
0x91: {  	v29 =	vld.idx.msk [tilespmem:v14+s9+$0x0], $0xffff  }
0x92: {  	v28 =	vld.idx.msk [tilespmem:v15+s9+$0x0], $0xffff  }
0x93: {  	v27 =	vld.idx.msk [tilespmem:v16+s9+$0x0], $0xffff  }
0x94: {  	v26 =	vld.idx.msk [tilespmem:v17+s9+$0x0], $0xffff  }
0x95: {  	v25 =	vld.idx.msk [tilespmem:v18+s9+$0x0], $0xffff  }
0x96: {  	v24 =	vld.idx.msk [tilespmem:v19+s9+$0x0], $0xffff  }
0x97: {  	v23 =	vld.idx.msk [tilespmem:v20+s9+$0x0], $0xffff  }
0x98: {  	v22 =	vld.idx.msk [tilespmem:v21+s9+$0x0], $0xffff;
	_ =	swait.ge [sflag:s15], $0x1A00  }
0x99: {  	[sflag:s15] =	ssyncset.done $0x0  }
0x9a: {  	[sflag:s15] =	ssyncadd.s32 $0xFFFFE600  }
0x9b: {  	_ =	swait.ge [sflag:s15], $0x3400  }
0x9c: {  	[sflag:s15] =	ssyncset.done $0x0  }
0x9d: {  	[sflag:s15] =	ssyncadd.s32 $0xFFFFCC00  }
0x9e: {  	_ =	swait.ge [sflag:s15], $0x1A00  }
0x9f: {  	[sflag:s15] =	ssyncset.done $0x0  }
0xa0: {  	s20 =	simm.s32 $0x0;
	[sflag:s15] =	ssyncadd.s32 $0xFFFFE600  }
0xa1: {  	v51 =	vld [tilespmem:s20+$0x0];
	_ =	sdelay $0x1  }
0xa2: {  	v52 =	vld [tilespmem:s20+$0x200];
	_ =	sdelay $0x1  }
0xa3: {  	v38 =	vld [tilespmem:s20+$0x400]  }
0xa4: {  	v36 =	vmul.f32 v51, v35  }
0xa5: {  	v39 =	vld [tilespmem:s20+$0x600]  }
0xa6: {  	v37 =	vmul.f32 v52, v34;
	v36 =	vadd.f32 v36, v33  }
0xa7: {  	v40 =	vld [tilespmem:s20+$0x800]  }
0xa8: {  	v53 =	vmul.f32 v38, v32;
	v36 =	vadd.f32 v37, v36  }
0xa9: {  	v54 =	vld [tilespmem:s20+$0xA00]  }
0xaa: {  	v55 =	vmul.f32 v39, v31;
	v36 =	vadd.f32 v53, v36  }
0xab: {  	v56 =	vld [tilespmem:s20+$0xC00]  }
0xac: {  	v41 =	vld [tilespmem:s20+$0x1000];
	v57 =	vmul.f32 v40, v30;
	v36 =	vadd.f32 v55, v36  }
0xad: {  	v58 =	vld [tilespmem:s20+$0xE00]  }
0xae: {  	v42 =	vld [tilespmem:s20+$0x1A00];
	v59 =	vmul.f32 v54, v29;
	v36 =	vadd.f32 v57, v36  }
0xaf: {  	v60 =	vld [tilespmem:s20+$0x1C00]  }
0xb0: {  	v43 =	vld [tilespmem:s20+$0x1200];
	v61 =	vmul.f32 v56, v28;
	v36 =	vadd.f32 v59, v36  }
0xb1: {  	v62 =	vld [tilespmem:s20+$0x1E00]  }
0xb2: {  	v44 =	vld [tilespmem:s20+$0x1400];
	v63 =	vmul.f32 v58, v27;
	v36 =	vadd.f32 v61, v36  }
0xb3: {  	v48 =	vld [tilespmem:s20+$0x2000]  }
0xb4: {  	v45 =	vld [tilespmem:s20+$0x1600];
	vm0 =	vgt.s32 v42, $0x0;
	v41 =	vmul.f32 v41, v26;
	v36 =	vadd.f32 v63, v36  }
0xb5: {  	v50 =	vld [tilespmem:s20+$0x2200];
	vm5 =	vgt.s32 v60, $0x0;
	v43 =	vmul.f32 v43, v25;
	v42 =	vnsel vm0, $0x0, v42  }
0xb6: {  	v46 =	vld [tilespmem:s20+$0x1800];
	v38 =	vnsel vm5, $0x0, v60;
	v49 =	vmin.u32 v42, $0x19;
	v41 =	vadd.f32 v41, v36  }
0xb7: {  	vm6 =	vgt.s32 v62, $0x0;
	v52 =	vld [tilespmem:s20+$0x2400];
	v44 =	vmul.f32 v44, v24;
	v38 =	vmin.u32 v38, $0x19  }
0xb8: {  	v54 =	vld [tilespmem:s20+$0x2600];
	v51 =	vnsel vm6, $0x0, v62;
	v38 =	vor.u32 $0x20, v38;
	v41 =	vadd.f32 v43, v41  }
0xb9: {  	vm7 =	vgt.s32 v48, $0x0;
	v45 =	vmul.f32 v45, v23;
	v56 =	vld [tilespmem:s20+$0x2A00];
	v47 =	vmin.u32 v51, $0x19  }
0xba: {  	v58 =	vld [tilespmem:s20+$0x2C00];
	v40 =	vnsel vm7, $0x0, v48;
	v53 =	vor.u32 $0x40, v47;
	v41 =	vadd.f32 v44, v41  }
0xbb: {  	vm8 =	vgt.s32 v50, $0x0;
	v46 =	vmul.f32 v46, v22;
	v40 =	vmin.u32 v40, $0x19;
	v37 =	vld.idx.msk [tilespmem:v49+s16+$0x0], $0xffff  }
0xbc: {  	v42 =	vnsel vm8, $0x0, v50;
	v40 =	vor.u32 $0x60, v40;
	v55 =	vld [tilespmem:s20+$0x2800];
	v41 =	vadd.f32 v45, v41  }
0xbd: {  	v42 =	vmin.u32 v42, $0x19;
	vm9 =	vgt.s32 v52, $0x0;
	v38 =	vld.idx.msk [tilespmem:v38+s16+$0x0], $0xffff  }
0xbe: {  	v60 =	vld [tilespmem:s20+$0x2E00];
	v42 =	vor.u32 $0x80, v42;
	v39 =	vnsel vm9, $0x0, v52;
	v41 =	vadd.f32 v46, v41  }
0xbf: {  	vm10 =	vgt.s32 v54, $0x0;
	vm12 =	vgt.s32 v56, $0x0;
	v39 =	vmin.u32 v39, $0x19;
	v43 =	vld.idx.msk [tilespmem:v53+s16+$0x0], $0xffff  }
0xc0: {  	v50 =	vld [tilespmem:s20+$0x3200];
	v39 =	vor.u32 $0xA0, v39;
	v57 =	vnsel vm10, $0x0, v54;
	v37 =	vadd.f32 v37, v41  }
0xc1: {  	v62 =	vnsel vm12, $0x0, v56;
	v40 =	vld.idx.msk [tilespmem:v40+s16+$0x0], $0xffff;
	vm11 =	vgt.s32 v55, $0x0;
	v46 =	vmin.u32 v57, $0x19  }
0xc2: {  	v56 =	vld [tilespmem:s20+$0x3600];
	v44 =	vnsel vm11, $0x0, v55;
	v59 =	vor.u32 $0xC0, v46;
	v37 =	vadd.f32 v38, v37  }
0xc3: {  	v42 =	vld.idx.msk [tilespmem:v42+s16+$0x0], $0xffff;
	v44 =	vmin.u32 v44, $0x19  }
0xc4: {  	v63 =	vld [tilespmem:s20+$0x3000];
	v61 =	vor.u32 $0xE0, v44;
	v37 =	vadd.f32 v43, v37  }
0xc5: {  	vm13 =	vgt.s32 v58, $0x0;
	v39 =	vld.idx.msk [tilespmem:v39+s16+$0x0], $0xffff;
	v44 =	vmin.u32 v62, $0x19  }
0xc6: {  	v49 =	vnsel vm13, $0x0, v58;
	v36 =	vld [tilespmem:s20+$0x6600];
	v48 =	vor.u32 $0x100, v44;
	v37 =	vadd.f32 v40, v37  }
0xc7: {  	vm14 =	vgt.s32 v60, $0x0;
	v44 =	vmin.u32 v49, $0x19;
	v41 =	vld.idx.msk [tilespmem:v59+s16+$0x0], $0xffff  }
0xc8: {  	v52 =	vnsel vm14, $0x0, v60;
	v53 =	vld [tilespmem:s20+$0x3400];
	v51 =	vor.u32 $0x120, v44;
	v37 =	vadd.f32 v42, v37  }
0xc9: {  	vm15 =	vgt.s32 v63, $0x0;
	v44 =	vmin.u32 v52, $0x19;
	v38 =	vld.idx.msk [tilespmem:v61+s16+$0x0], $0xffff  }
0xca: {  	v55 =	vnsel vm15, $0x0, v63;
	v62 =	vld [tilespmem:s20+$0x3A00];
	v54 =	vor.u32 $0x140, v44;
	v37 =	vadd.f32 v39, v37  }
0xcb: {  	vm4 =	vgt.s32 v50, $0x0;
	v44 =	vmin.u32 v55, $0x19;
	v43 =	vld.idx.msk [tilespmem:v48+s16+$0x0], $0xffff  }
0xcc: {  	v58 =	vnsel vm4, $0x0, v50;
	v57 =	vor.u32 $0x160, v44;
	v59 =	vld [tilespmem:s20+$0x3800];
	v37 =	vadd.f32 v41, v37  }
0xcd: {  	vm5 =	vgt.s32 v53, $0x0;
	v44 =	vmin.u32 v58, $0x19;
	v40 =	vld.idx.msk [tilespmem:v51+s16+$0x0], $0xffff  }
0xce: {  	v49 =	vld [tilespmem:s20+$0x3C00];
	v60 =	vor.u32 $0x180, v44;
	v61 =	vnsel vm5, $0x0, v53;
	v37 =	vadd.f32 v38, v37  }
0xcf: {  	vm6 =	vgt.s32 v56, $0x0;
	v44 =	vmin.u32 v61, $0x19;
	v42 =	vld.idx.msk [tilespmem:v54+s16+$0x0], $0xffff  }
0xd0: {  	v52 =	vld [tilespmem:s20+$0x3E00];
	v63 =	vor.u32 $0x1A0, v44;
	v48 =	vnsel vm6, $0x0, v56;
	v37 =	vadd.f32 v43, v37  }
0xd1: {  	v44 =	vmin.u32 v48, $0x19;
	vm7 =	vgt.s32 v59, $0x0;
	v39 =	vld.idx.msk [tilespmem:v57+s16+$0x0], $0xffff  }
0xd2: {  	v55 =	vld [tilespmem:s20+$0x4000];
	v50 =	vor.u32 $0x1C0, v44;
	v51 =	vnsel vm7, $0x0, v59;
	v37 =	vadd.f32 v40, v37  }
0xd3: {  	vm8 =	vgt.s32 v62, $0x0;
	v44 =	vmin.u32 v51, $0x19;
	v41 =	vld.idx.msk [tilespmem:v60+s16+$0x0], $0xffff  }
0xd4: {  	v58 =	vld [tilespmem:s20+$0x4200];
	v54 =	vnsel vm8, $0x0, v62;
	v53 =	vor.u32 $0x1E0, v44;
	v37 =	vadd.f32 v42, v37  }
0xd5: {  	vm9 =	vgt.s32 v49, $0x0;
	v44 =	vmin.u32 v54, $0x19;
	v38 =	vld.idx.msk [tilespmem:v63+s16+$0x0], $0xffff  }
0xd6: {  	v61 =	vld [tilespmem:s20+$0x4400];
	v57 =	vnsel vm9, $0x0, v49;
	v56 =	vor.u32 $0x200, v44;
	v37 =	vadd.f32 v39, v37  }
0xd7: {  	vm10 =	vgt.s32 v52, $0x0;
	v44 =	vmin.u32 v57, $0x19;
	v43 =	vld.idx.msk [tilespmem:v50+s16+$0x0], $0xffff  }
0xd8: {  	v48 =	vld [tilespmem:s20+$0x4600];
	v60 =	vnsel vm10, $0x0, v52;
	v59 =	vor.u32 $0x220, v44;
	v37 =	vadd.f32 v41, v37  }
0xd9: {  	vm11 =	vgt.s32 v55, $0x0;
	v44 =	vmin.u32 v60, $0x19;
	v40 =	vld.idx.msk [tilespmem:v53+s16+$0x0], $0xffff  }
0xda: {  	v51 =	vld [tilespmem:s20+$0x4800];
	v63 =	vnsel vm11, $0x0, v55;
	v62 =	vor.u32 $0x240, v44;
	v37 =	vadd.f32 v38, v37  }
0xdb: {  	vm12 =	vgt.s32 v58, $0x0;
	v44 =	vmin.u32 v63, $0x19;
	v42 =	vld.idx.msk [tilespmem:v56+s16+$0x0], $0xffff  }
0xdc: {  	v54 =	vld [tilespmem:s20+$0x4A00];
	v49 =	vor.u32 $0x260, v44;
	v50 =	vnsel vm12, $0x0, v58;
	v37 =	vadd.f32 v43, v37  }
0xdd: {  	vm13 =	vgt.s32 v61, $0x0;
	v44 =	vmin.u32 v50, $0x19;
	v39 =	vld.idx.msk [tilespmem:v59+s16+$0x0], $0xffff  }
0xde: {  	v57 =	vld [tilespmem:s20+$0x4C00];
	v52 =	vor.u32 $0x280, v44;
	v53 =	vnsel vm13, $0x0, v61;
	v37 =	vadd.f32 v40, v37  }
0xdf: {  	vm14 =	vgt.s32 v48, $0x0;
	v44 =	vmin.u32 v53, $0x19;
	v41 =	vld.idx.msk [tilespmem:v62+s16+$0x0], $0xffff  }
0xe0: {  	v60 =	vld [tilespmem:s20+$0x4E00];
	v55 =	vor.u32 $0x2A0, v44;
	v56 =	vnsel vm14, $0x0, v48;
	v37 =	vadd.f32 v42, v37  }
0xe1: {  	vm15 =	vgt.s32 v51, $0x0;
	v44 =	vmin.u32 v56, $0x19;
	v38 =	vld.idx.msk [tilespmem:v49+s16+$0x0], $0xffff  }
0xe2: {  	v63 =	vld [tilespmem:s20+$0x5000];
	v58 =	vor.u32 $0x2C0, v44;
	v59 =	vnsel vm15, $0x0, v51;
	v37 =	vadd.f32 v39, v37  }
0xe3: {  	vm4 =	vgt.s32 v54, $0x0;
	v44 =	vmin.u32 v59, $0x19;
	v43 =	vld.idx.msk [tilespmem:v52+s16+$0x0], $0xffff  }
0xe4: {  	v50 =	vld [tilespmem:s20+$0x5200];
	v61 =	vor.u32 $0x2E0, v44;
	v62 =	vnsel vm4, $0x0, v54;
	v37 =	vadd.f32 v41, v37  }
0xe5: {  	vm5 =	vgt.s32 v57, $0x0;
	v44 =	vmin.u32 v62, $0x19;
	v40 =	vld.idx.msk [tilespmem:v55+s16+$0x0], $0xffff  }
0xe6: {  	v53 =	vld [tilespmem:s20+$0x5400];
	v48 =	vor.u32 $0x300, v44;
	v49 =	vnsel vm5, $0x0, v57;
	v37 =	vadd.f32 v38, v37  }
0xe7: {  	vm6 =	vgt.s32 v60, $0x0;
	v44 =	vmin.u32 v49, $0x19;
	v42 =	vld.idx.msk [tilespmem:v58+s16+$0x0], $0xffff  }
0xe8: {  	v56 =	vld [tilespmem:s20+$0x5600];
	v51 =	vor.u32 $0x320, v44;
	v52 =	vnsel vm6, $0x0, v60;
	v37 =	vadd.f32 v43, v37  }
0xe9: {  	vm7 =	vgt.s32 v63, $0x0;
	v44 =	vmin.u32 v52, $0x7;
	v39 =	vld.idx.msk [tilespmem:v61+s16+$0x0], $0xffff  }
0xea: {  	v59 =	vld [tilespmem:s20+$0x5800];
	v54 =	vadd.s32 $0x35AD, v44;
	v55 =	vnsel vm7, $0x0, v63;
	v37 =	vadd.f32 v40, v37  }
0xeb: {  	vm8 =	vgt.s32 v50, $0x0;
	vm9 =	vgt.s32 v53, $0x0;
	v44 =	vmin.u32 v55, $0x7;
	v41 =	vld.idx.msk [tilespmem:v48+s16+$0x0], $0xffff  }
0xec: {  	v62 =	vld [tilespmem:s20+$0x5A00];
	v57 =	vadd.s32 $0x35B5, v44;
	v58 =	vnsel vm8, $0x0, v50;
	v37 =	vadd.f32 v42, v37  }
0xed: {  	vm10 =	vgt.s32 v56, $0x0;
	v44 =	vmin.u32 v58, $0x7;
	v61 =	vnsel vm9, $0x0, v53;
	v38 =	vld.idx.msk [tilespmem:v51+s16+$0x0], $0xffff  }
0xee: {  	v60 =	vadd.s32 $0x35BD, v44;
	v53 =	vld [tilespmem:s20+$0x5C00];
	v44 =	vmin.u32 v61, $0x7;
	v37 =	vadd.f32 v39, v37  }
0xef: {  	v52 =	vnsel vm10, $0x0, v56;
	v63 =	vadd.s32 $0x35C5, v44;
	v43 =	vld.idx.msk [tilespmem:v54+s9+$0x0], $0xffff  }
0xf0: {  	v56 =	vld [tilespmem:s20+$0x5E00];
	v44 =	vmin.u32 v52, $0x7;
	v37 =	vadd.f32 v41, v37  }
0xf1: {  	vm11 =	vgt.s32 v59, $0x0;
	vm12 =	vgt.s32 v62, $0x0;
	v54 =	vadd.s32 $0x35CD, v44;
	v40 =	vld.idx.msk [tilespmem:v57+s9+$0x0], $0xffff  }
0xf2: {  	v49 =	vld [tilespmem:s20+$0x6000];
	v55 =	vnsel vm11, $0x0, v59;
	v58 =	vnsel vm12, $0x0, v62;
	v38 =	vadd.f32 v38, v37  }
0xf3: {  	v48 =	vld.idx.msk [tilespmem:v60+s9+$0x0], $0xffff;
	v60 =	vmin.u32 v58, $0x7;
	v57 =	vmin.u32 v55, $0x7  }
0xf4: {  	vm13 =	vgt.s32 v53, $0x0;
	v42 =	vadd.s32 $0x35D5, v57;
	v37 =	vld.idx.msk [tilespmem:v63+s9+$0x0], $0xffff;
	v59 =	vadd.f32 v43, v38  }
0xf5: {  	v61 =	vnsel vm13, $0x0, v53;
	v38 =	vld [tilespmem:s20+$0x6200];
	v43 =	vadd.s32 $0x35DD, v60  }
0xf6: {  	vm14 =	vgt.s32 v56, $0x0;
	v44 =	vmin.u32 v61, $0x7;
	v39 =	vld.idx.msk [tilespmem:v54+s9+$0x0], $0xffff;
	v62 =	vadd.f32 v40, v59  }
0xf7: {  	s21 =	simm.s32 $0x10;
	v44 =	vadd.s32 $0x35E5, v44;
	v63 =	vnsel vm14, $0x0, v56;
	v40 =	vld [tilespmem:s20+$0x6400]  }
0xf8: {  	vm15 =	vgt.s32 v49, $0x0;
	v41 =	vld [tilespmem:s21+$0x0];
	v45 =	vmin.u32 v63, $0x7;
	v46 =	vadd.f32 v48, v62  }
0xf9: {  	s22 =	simm.s32 $0x80;
	v47 =	vnsel vm15, $0x0, v49;
	v42 =	vld.idx.msk [tilespmem:v42+s9+$0x0], $0xffff;
	v45 =	vadd.s32 $0x35ED, v45  }
.LBB2_4:
0xfa: {  	p0 =	sne.s32 s22, $0x7C0;
	v37 =	vadd.f32 v37, v46;
	v43 =	vld.idx.msk [tilespmem:v43+s9+$0x0], $0xffff;
	v46 =	vmin.u32 v47, $0x7;
	vm0 =	vgt.s32 v38, $0x0  }
0xfb: {  	v47 =	vld [tilespmem:s21+$0x200];
	v46 =	vadd.s32 $0x35F5, v46;
	v38 =	vnsel vm0, $0x0, v38  }
0xfc: {  	v37 =	vadd.f32 v39, v37;
	v39 =	vld.idx.msk [tilespmem:v44+s9+$0x0], $0xffff;
	v38 =	vmin.u32 v38, $0x7;
	vm0 =	vgt.s32 v40, $0x0  }
0xfd: {  	v44 =	vld [tilespmem:s21+$0x400];
	v38 =	vadd.s32 $0x35FD, v38;
	v40 =	vnsel vm0, $0x0, v40  }
0xfe: {  	vm0 =	vgt.s32 v36, $0x0;
	v37 =	vadd.f32 v42, v37;
	v42 =	vld.idx.msk [tilespmem:v45+s9+$0x0], $0xffff;
	v40 =	vmin.u32 v40, $0x7  }
0xff: {  	v41 =	vmul.f32 v41, v35;
	v36 =	vnsel vm0, $0x0, v36;
	v45 =	vld [tilespmem:s21+$0x600];
	v40 =	vadd.s32 $0x3605, v40  }
0x100: {  	v36 =	vmin.u32 v36, $0x7;
	v37 =	vadd.f32 v43, v37;
	v43 =	vld.idx.msk [tilespmem:v46+s9+$0x0], $0xffff  }
0x101: {  	v41 =	vadd.f32 v41, v33;
	v46 =	vmul.f32 v47, v34;
	v36 =	vadd.s32 $0x360D, v36;
	v47 =	vld [tilespmem:s21+$0x800]  }
0x102: {  	v37 =	vadd.f32 v39, v37;
	v38 =	vld.idx.msk [tilespmem:v38+s9+$0x0], $0xffff  }
0x103: {  	v39 =	vadd.f32 v46, v41;
	v41 =	vmul.f32 v44, v32;
	v44 =	vld [tilespmem:s21+$0xA00]  }
0x104: {  	v37 =	vadd.f32 v42, v37;
	v40 =	vld.idx.msk [tilespmem:v40+s9+$0x0], $0xffff  }
0x105: {  	v39 =	vadd.f32 v41, v39;
	v41 =	vmul.f32 v45, v31;
	v42 =	vld [tilespmem:s21+$0xC00]  }
0x106: {  	v37 =	vadd.f32 v43, v37;
	v36 =	vld.idx.msk [tilespmem:v36+s9+$0x0], $0xffff  }
0x107: {  	v39 =	vadd.f32 v41, v39;
	v41 =	vmul.f32 v47, v30;
	v43 =	vld [tilespmem:s21+$0x1000]  }
0x108: {  	v45 =	vld [tilespmem:s21+$0xE00];
	v37 =	vadd.f32 v38, v37  }
0x109: {  	v38 =	vadd.f32 v41, v39;
	v39 =	vmul.f32 v44, v29;
	v41 =	vld [tilespmem:s21+$0x1A00]  }
0x10a: {  	v44 =	vld [tilespmem:s21+$0x1C00];
	v37 =	vadd.f32 v40, v37  }
0x10b: {  	v38 =	vadd.f32 v39, v38;
	v39 =	vmul.f32 v42, v28;
	v40 =	vld [tilespmem:s21+$0x1200]  }
0x10c: {  	v42 =	vld [tilespmem:s21+$0x1E00];
	v36 =	vadd.f32 v36, v37  }
0x10d: {  	v37 =	vadd.f32 v39, v38;
	v38 =	vmul.f32 v45, v27;
	v39 =	vld [tilespmem:s21+$0x1400]  }
0x10e: {  	v43 =	vmul.f32 v43, v26;
	vm0 =	vgt.s32 v41, $0x0;
	v45 =	vld [tilespmem:s21+$0x2000];
	[tilespmem:s20+$0xA158] =	vst v36;
	s20 =	smov.u32 s21  }
0x10f: {  	v36 =	vadd.f32 v38, v37;
	v37 =	vld [tilespmem:s20+$0x1600];
	v38 =	vnsel vm0, $0x0, v41;
	vm0 =	vgt.s32 v44, $0x0  }
0x110: {  	v40 =	vmul.f32 v40, v25;
	v38 =	vmin.u32 v38, $0x19;
	v41 =	vnsel vm0, $0x0, v44;
	v44 =	vld [tilespmem:s20+$0x2200]  }
0x111: {  	v36 =	vadd.f32 v43, v36;
	v43 =	vld [tilespmem:s20+$0x1800];
	v41 =	vmin.u32 v41, $0x19;
	vm0 =	vgt.s32 v42, $0x0  }
0x112: {  	v39 =	vmul.f32 v39, v24;
	v41 =	vor.u32 $0x20, v41;
	v42 =	vnsel vm0, $0x0, v42;
	v46 =	vld [tilespmem:s20+$0x2400]  }
0x113: {  	v40 =	vadd.f32 v40, v36;
	v42 =	vmin.u32 v42, $0x19;
	vm0 =	vgt.s32 v45, $0x0;
	v36 =	vld [tilespmem:s20+$0x6600]  }
0x114: {  	v37 =	vmul.f32 v37, v23;
	v42 =	vor.u32 $0x40, v42;
	v45 =	vnsel vm0, $0x0, v45;
	v47 =	vld [tilespmem:s20+$0x2600]  }
0x115: {  	v39 =	vadd.f32 v39, v40;
	v38 =	vld.idx.msk [tilespmem:v38+s16+$0x0], $0xffff;
	v40 =	vmin.u32 v45, $0x19;
	vm0 =	vgt.s32 v44, $0x0  }
0x116: {  	v43 =	vmul.f32 v43, v22;
	v40 =	vor.u32 $0x60, v40;
	v44 =	vnsel vm0, $0x0, v44;
	v45 =	vld [tilespmem:s20+$0x2800]  }
0x117: {  	v37 =	vadd.f32 v37, v39;
	v39 =	vld.idx.msk [tilespmem:v41+s16+$0x0], $0xffff;
	v41 =	vmin.u32 v44, $0x19;
	vm0 =	vgt.s32 v46, $0x0  }
0x118: {  	v41 =	vor.u32 $0x80, v41;
	v44 =	vnsel vm0, $0x0, v46;
	v46 =	vld [tilespmem:s20+$0x2A00]  }
0x119: {  	v37 =	vadd.f32 v43, v37;
	v42 =	vld.idx.msk [tilespmem:v42+s16+$0x0], $0xffff;
	v43 =	vmin.u32 v44, $0x19;
	vm0 =	vgt.s32 v47, $0x0  }
0x11a: {  	v43 =	vor.u32 $0xA0, v43;
	v44 =	vnsel vm0, $0x0, v47;
	v47 =	vld [tilespmem:s20+$0x2C00]  }
0x11b: {  	v37 =	vadd.f32 v38, v37;
	v38 =	vld.idx.msk [tilespmem:v40+s16+$0x0], $0xffff;
	v40 =	vmin.u32 v44, $0x19;
	vm0 =	vgt.s32 v45, $0x0  }
0x11c: {  	v40 =	vor.u32 $0xC0, v40;
	v44 =	vnsel vm0, $0x0, v45;
	v45 =	vld [tilespmem:s20+$0x2E00]  }
0x11d: {  	v37 =	vadd.f32 v39, v37;
	v39 =	vld.idx.msk [tilespmem:v41+s16+$0x0], $0xffff;
	v41 =	vmin.u32 v44, $0x19;
	vm0 =	vgt.s32 v46, $0x0  }
0x11e: {  	v41 =	vor.u32 $0xE0, v41;
	v44 =	vnsel vm0, $0x0, v46;
	v46 =	vld [tilespmem:s20+$0x3000]  }
0x11f: {  	v37 =	vadd.f32 v42, v37;
	v42 =	vld.idx.msk [tilespmem:v43+s16+$0x0], $0xffff;
	v43 =	vmin.u32 v44, $0x19;
	vm0 =	vgt.s32 v47, $0x0  }
0x120: {  	v43 =	vor.u32 $0x100, v43;
	v44 =	vnsel vm0, $0x0, v47;
	v47 =	vld [tilespmem:s20+$0x3200]  }
0x121: {  	v37 =	vadd.f32 v38, v37;
	v38 =	vld.idx.msk [tilespmem:v40+s16+$0x0], $0xffff;
	v40 =	vmin.u32 v44, $0x19;
	vm0 =	vgt.s32 v45, $0x0  }
0x122: {  	v40 =	vor.u32 $0x120, v40;
	v44 =	vnsel vm0, $0x0, v45;
	v45 =	vld [tilespmem:s20+$0x3400]  }
0x123: {  	v37 =	vadd.f32 v39, v37;
	v39 =	vld.idx.msk [tilespmem:v41+s16+$0x0], $0xffff;
	v41 =	vmin.u32 v44, $0x19;
	vm0 =	vgt.s32 v46, $0x0  }
0x124: {  	v41 =	vor.u32 $0x140, v41;
	v44 =	vnsel vm0, $0x0, v46;
	v46 =	vld [tilespmem:s20+$0x3600]  }
0x125: {  	v37 =	vadd.f32 v42, v37;
	v42 =	vld.idx.msk [tilespmem:v43+s16+$0x0], $0xffff;
	v43 =	vmin.u32 v44, $0x19;
	vm0 =	vgt.s32 v47, $0x0  }
0x126: {  	v43 =	vor.u32 $0x160, v43;
	v44 =	vnsel vm0, $0x0, v47;
	v47 =	vld [tilespmem:s20+$0x3800]  }
0x127: {  	v37 =	vadd.f32 v38, v37;
	v38 =	vld.idx.msk [tilespmem:v40+s16+$0x0], $0xffff;
	v40 =	vmin.u32 v44, $0x19;
	vm0 =	vgt.s32 v45, $0x0  }
0x128: {  	v40 =	vor.u32 $0x180, v40;
	v44 =	vnsel vm0, $0x0, v45;
	v45 =	vld [tilespmem:s20+$0x3A00]  }
0x129: {  	v37 =	vadd.f32 v39, v37;
	v39 =	vld.idx.msk [tilespmem:v41+s16+$0x0], $0xffff;
	v41 =	vmin.u32 v44, $0x19;
	vm0 =	vgt.s32 v46, $0x0  }
0x12a: {  	v41 =	vor.u32 $0x1A0, v41;
	v44 =	vnsel vm0, $0x0, v46;
	v46 =	vld [tilespmem:s20+$0x3C00]  }
0x12b: {  	v37 =	vadd.f32 v42, v37;
	v42 =	vld.idx.msk [tilespmem:v43+s16+$0x0], $0xffff;
	v43 =	vmin.u32 v44, $0x19;
	vm0 =	vgt.s32 v47, $0x0  }
0x12c: {  	v43 =	vor.u32 $0x1C0, v43;
	v44 =	vnsel vm0, $0x0, v47;
	v47 =	vld [tilespmem:s20+$0x3E00]  }
0x12d: {  	v37 =	vadd.f32 v38, v37;
	v38 =	vld.idx.msk [tilespmem:v40+s16+$0x0], $0xffff;
	v40 =	vmin.u32 v44, $0x19;
	vm0 =	vgt.s32 v45, $0x0  }
0x12e: {  	v40 =	vor.u32 $0x1E0, v40;
	v44 =	vnsel vm0, $0x0, v45;
	v45 =	vld [tilespmem:s20+$0x4000]  }
0x12f: {  	v37 =	vadd.f32 v39, v37;
	v39 =	vld.idx.msk [tilespmem:v41+s16+$0x0], $0xffff;
	v41 =	vmin.u32 v44, $0x19;
	vm0 =	vgt.s32 v46, $0x0  }
0x130: {  	v41 =	vor.u32 $0x200, v41;
	v44 =	vnsel vm0, $0x0, v46;
	v46 =	vld [tilespmem:s20+$0x4200]  }
0x131: {  	v37 =	vadd.f32 v42, v37;
	v42 =	vld.idx.msk [tilespmem:v43+s16+$0x0], $0xffff;
	v43 =	vmin.u32 v44, $0x19;
	vm0 =	vgt.s32 v47, $0x0  }
0x132: {  	v43 =	vor.u32 $0x220, v43;
	v44 =	vnsel vm0, $0x0, v47;
	v47 =	vld [tilespmem:s20+$0x4400]  }
0x133: {  	v37 =	vadd.f32 v38, v37;
	v38 =	vld.idx.msk [tilespmem:v40+s16+$0x0], $0xffff;
	v40 =	vmin.u32 v44, $0x19;
	vm0 =	vgt.s32 v45, $0x0  }
0x134: {  	v40 =	vor.u32 $0x240, v40;
	v44 =	vnsel vm0, $0x0, v45;
	v45 =	vld [tilespmem:s20+$0x4600]  }
0x135: {  	v37 =	vadd.f32 v39, v37;
	v39 =	vld.idx.msk [tilespmem:v41+s16+$0x0], $0xffff;
	v41 =	vmin.u32 v44, $0x19;
	vm0 =	vgt.s32 v46, $0x0  }
0x136: {  	v41 =	vor.u32 $0x260, v41;
	v44 =	vnsel vm0, $0x0, v46;
	v46 =	vld [tilespmem:s20+$0x4800]  }
0x137: {  	v37 =	vadd.f32 v42, v37;
	v42 =	vld.idx.msk [tilespmem:v43+s16+$0x0], $0xffff;
	v43 =	vmin.u32 v44, $0x19;
	vm0 =	vgt.s32 v47, $0x0  }
0x138: {  	v43 =	vor.u32 $0x280, v43;
	v44 =	vnsel vm0, $0x0, v47;
	v47 =	vld [tilespmem:s20+$0x4A00]  }
0x139: {  	v37 =	vadd.f32 v38, v37;
	v38 =	vld.idx.msk [tilespmem:v40+s16+$0x0], $0xffff;
	v40 =	vmin.u32 v44, $0x19;
	vm0 =	vgt.s32 v45, $0x0  }
0x13a: {  	v40 =	vor.u32 $0x2A0, v40;
	v44 =	vnsel vm0, $0x0, v45;
	v45 =	vld [tilespmem:s20+$0x4C00]  }
0x13b: {  	v37 =	vadd.f32 v39, v37;
	v39 =	vld.idx.msk [tilespmem:v41+s16+$0x0], $0xffff;
	v41 =	vmin.u32 v44, $0x19;
	vm0 =	vgt.s32 v46, $0x0  }
0x13c: {  	v41 =	vor.u32 $0x2C0, v41;
	v44 =	vnsel vm0, $0x0, v46;
	v46 =	vld [tilespmem:s20+$0x4E00]  }
0x13d: {  	v37 =	vadd.f32 v42, v37;
	v42 =	vld.idx.msk [tilespmem:v43+s16+$0x0], $0xffff;
	v43 =	vmin.u32 v44, $0x19;
	vm0 =	vgt.s32 v47, $0x0  }
0x13e: {  	v43 =	vor.u32 $0x2E0, v43;
	v44 =	vnsel vm0, $0x0, v47;
	v47 =	vld [tilespmem:s20+$0x5000]  }
0x13f: {  	v37 =	vadd.f32 v38, v37;
	v38 =	vld.idx.msk [tilespmem:v40+s16+$0x0], $0xffff;
	v40 =	vmin.u32 v44, $0x19;
	vm0 =	vgt.s32 v45, $0x0  }
0x140: {  	v40 =	vor.u32 $0x300, v40;
	v44 =	vnsel vm0, $0x0, v45;
	v45 =	vld [tilespmem:s20+$0x5200]  }
0x141: {  	v37 =	vadd.f32 v39, v37;
	v39 =	vld.idx.msk [tilespmem:v41+s16+$0x0], $0xffff;
	v41 =	vmin.u32 v44, $0x19;
	vm0 =	vgt.s32 v46, $0x0  }
0x142: {  	v41 =	vor.u32 $0x320, v41;
	v44 =	vnsel vm0, $0x0, v46;
	v46 =	vld [tilespmem:s20+$0x5400]  }
0x143: {  	v37 =	vadd.f32 v42, v37;
	v42 =	vld.idx.msk [tilespmem:v43+s16+$0x0], $0xffff;
	v43 =	vmin.u32 v44, $0x7;
	vm0 =	vgt.s32 v47, $0x0  }
0x144: {  	v43 =	vadd.s32 $0x35AD, v43;
	v44 =	vnsel vm0, $0x0, v47;
	v47 =	vld [tilespmem:s20+$0x5600]  }
0x145: {  	v37 =	vadd.f32 v38, v37;
	v38 =	vld.idx.msk [tilespmem:v40+s16+$0x0], $0xffff;
	v40 =	vmin.u32 v44, $0x7;
	vm0 =	vgt.s32 v45, $0x0  }
0x146: {  	v40 =	vadd.s32 $0x35B5, v40;
	v44 =	vnsel vm0, $0x0, v45;
	v45 =	vld [tilespmem:s20+$0x5800]  }
0x147: {  	v37 =	vadd.f32 v39, v37;
	v39 =	vld.idx.msk [tilespmem:v41+s16+$0x0], $0xffff;
	v41 =	vmin.u32 v44, $0x7;
	vm0 =	vgt.s32 v46, $0x0  }
0x148: {  	v41 =	vadd.s32 $0x35BD, v41;
	v44 =	vnsel vm0, $0x0, v46;
	v46 =	vld [tilespmem:s20+$0x5A00]  }
0x149: {  	v37 =	vadd.f32 v42, v37;
	v42 =	vld.idx.msk [tilespmem:v43+s9+$0x0], $0xffff;
	v43 =	vmin.u32 v44, $0x7;
	vm0 =	vgt.s32 v47, $0x0  }
0x14a: {  	v43 =	vadd.s32 $0x35C5, v43;
	v44 =	vnsel vm0, $0x0, v47;
	v47 =	vld [tilespmem:s20+$0x5C00]  }
0x14b: {  	v37 =	vadd.f32 v38, v37;
	v40 =	vld.idx.msk [tilespmem:v40+s9+$0x0], $0xffff;
	v38 =	vmin.u32 v44, $0x7;
	vm0 =	vgt.s32 v45, $0x0  }
0x14c: {  	v44 =	vadd.s32 $0x35CD, v38;
	v38 =	vnsel vm0, $0x0, v45;
	v45 =	vld [tilespmem:s20+$0x5E00]  }
0x14d: {  	v37 =	vadd.f32 v39, v37;
	v41 =	vld.idx.msk [tilespmem:v41+s9+$0x0], $0xffff;
	v38 =	vmin.u32 v38, $0x7;
	vm0 =	vgt.s32 v46, $0x0  }
0x14e: {  	v48 =	vadd.s32 $0x35D5, v38;
	v38 =	vnsel vm0, $0x0, v46;
	v49 =	vld [tilespmem:s20+$0x6000]  }
0x14f: {  	v39 =	vadd.f32 v42, v37;
	v37 =	vld.idx.msk [tilespmem:v43+s9+$0x0], $0xffff;
	v38 =	vmin.u32 v38, $0x7;
	vm0 =	vgt.s32 v47, $0x0  }
.Ltmp1:
0x150: {  	v43 =	vadd.s32 $0x35DD, v38;
	v42 =	vnsel vm0, $0x0, v47;
	v38 =	vld [tilespmem:s20+$0x6200];
	(pc) =	sbr.rel @p0 .LBB2_4-.Ltmp1, $4  }
0x151: {  	v46 =	vadd.f32 v40, v39;
	v39 =	vld.idx.msk [tilespmem:v44+s9+$0x0], $0xffff;
	v40 =	vmin.u32 v42, $0x7;
	vm0 =	vgt.s32 v45, $0x0  }
0x152: {  	v44 =	vadd.s32 $0x35E5, v40;
	v45 =	vnsel vm0, $0x0, v45;
	v40 =	vld [tilespmem:s20+$0x6400]  }
0x153: {  	s21 =	sshra.s32 s22, $0x2;
	v46 =	vadd.f32 v41, v46;
	v42 =	vld.idx.msk [tilespmem:v48+s9+$0x0], $0xffff;
	v45 =	vmin.u32 v45, $0x7;
	vm0 =	vgt.s32 v49, $0x0  }
0x154: {  	s22 =	sadd.s32 $0x40, s22;
	v41 =	vld [tilespmem:s21+$0x0];
	v45 =	vadd.s32 $0x35ED, v45;
	v47 =	vnsel vm0, $0x0, v49  }
0x155: {  	_ =	sdelay $0x3  }
0x156: {  	v43 =	vld.idx.msk [tilespmem:v43+s9+$0x0], $0xffff  }
0x157: {  	v55 =	vld [tilespmem:s21+$0x200]  }
0x158: {  	v44 =	vld.idx.msk [tilespmem:v44+s9+$0x0], $0xffff  }
0x159: {  	v47 =	vmin.u32 v47, $0x7;
	vm0 =	vgt.s32 v38, $0x0;
	v37 =	vadd.f32 v37, v46;
	v56 =	vld [tilespmem:s21+$0x400]  }
0x15a: {  	v45 =	vld.idx.msk [tilespmem:v45+s9+$0x0], $0xffff;
	vm12 =	vgt.s32 v36, $0x0;
	v47 =	vadd.s32 $0x35F5, v47;
	v38 =	vnsel vm0, $0x0, v38  }
0x15b: {  	v57 =	vld [tilespmem:s21+$0x600];
	v38 =	vmin.u32 v38, $0x7;
	vm11 =	vgt.s32 v40, $0x0;
	v37 =	vadd.f32 v39, v37  }
0x15c: {  	v59 =	vld [tilespmem:s21+$0x800];
	v36 =	vnsel vm12, $0x0, v36;
	v38 =	vadd.s32 $0x35FD, v38;
	v40 =	vnsel vm11, $0x0, v40  }
0x15d: {  	v61 =	vld [tilespmem:s21+$0xA00];
	v40 =	vmin.u32 v40, $0x7;
	v37 =	vadd.f32 v42, v37;
	v35 =	vmul.f32 v41, v35  }
0x15e: {  	v63 =	vld [tilespmem:s21+$0xC00];
	v36 =	vmin.u32 v36, $0x7;
	v40 =	vadd.s32 $0x3605, v40  }
0x15f: {  	v46 =	vld [tilespmem:s21+$0x1200];
	v34 =	vmul.f32 v55, v34;
	v37 =	vadd.f32 v43, v37;
	v33 =	vadd.f32 v35, v33  }
0x160: {  	v36 =	vadd.s32 $0x360D, v36;
	v58 =	vld.idx.msk [tilespmem:v47+s9+$0x0], $0xffff  }
0x161: {  	v48 =	vld [tilespmem:s21+$0x1400];
	v32 =	vmul.f32 v56, v32;
	v37 =	vadd.f32 v44, v37;
	v33 =	vadd.f32 v34, v33  }
0x162: {  	v60 =	vld.idx.msk [tilespmem:v38+s9+$0x0], $0xffff  }
0x163: {  	v49 =	vld [tilespmem:s21+$0x2000];
	v31 =	vmul.f32 v57, v31;
	v37 =	vadd.f32 v45, v37;
	v32 =	vadd.f32 v32, v33  }
0x164: {  	v62 =	vld.idx.msk [tilespmem:v40+s9+$0x0], $0xffff  }
0x165: {  	v30 =	vmul.f32 v59, v30;
	v43 =	vld [tilespmem:s21+$0xE00];
	v41 =	vadd.f32 v58, v37;
	v31 =	vadd.f32 v31, v32  }
0x166: {  	v40 =	vld.idx.msk [tilespmem:v36+s9+$0x0], $0xffff  }
0x167: {  	v42 =	vld [tilespmem:s21+$0x1000];
	v29 =	vmul.f32 v61, v29;
	v35 =	vadd.f32 v60, v41;
	v30 =	vadd.f32 v30, v31  }
0x168: {  	v44 =	vld [tilespmem:s21+$0x1A00]  }
0x169: {  	v28 =	vmul.f32 v63, v28;
	v45 =	vld [tilespmem:s21+$0x1C00];
	v34 =	vadd.f32 v62, v35;
	v29 =	vadd.f32 v29, v30;
	_ =	sdelay $0x1  }
0x16a: {  	v47 =	vld [tilespmem:s21+$0x1E00];
	v27 =	vmul.f32 v43, v27;
	v33 =	vadd.f32 v40, v34;
	v28 =	vadd.f32 v28, v29  }
0x16b: {  	v25 =	vmul.f32 v46, v25;
	v24 =	vmul.f32 v48, v24  }
0x16c: {  	v26 =	vmul.f32 v42, v26;
	vm13 =	vgt.s32 v44, $0x0;
	[tilespmem:s20+$0xA158] =	vst v33;
	v27 =	vadd.f32 v27, v28  }
0x16d: {  	vm4 =	vgt.s32 v49, $0x0;
	v51 =	vnsel vm13, $0x0, v44;
	vm14 =	vgt.s32 v45, $0x0;
	v50 =	vld [tilespmem:s21+$0x1600]  }
0x16e: {  	v32 =	vmin.u32 v51, $0x19;
	v31 =	vnsel vm14, $0x0, v45;
	v33 =	vld [tilespmem:s21+$0x2200];
	v26 =	vadd.f32 v26, v27  }
0x16f: {  	v55 =	vnsel vm4, $0x0, v49;
	vm15 =	vgt.s32 v47, $0x0;
	v31 =	vmin.u32 v31, $0x19;
	v52 =	vld [tilespmem:s21+$0x1800]  }
0x170: {  	v30 =	vnsel vm15, $0x0, v47;
	v31 =	vor.u32 $0x20, v31;
	v53 =	vld [tilespmem:s21+$0x2400];
	v25 =	vadd.f32 v25, v26  }
0x171: {  	v54 =	vmin.u32 v30, $0x19;
	v28 =	vmin.u32 v55, $0x19  }
0x172: {  	v56 =	vld [tilespmem:s21+$0x2600];
	v26 =	vor.u32 $0x40, v54;
	v23 =	vmul.f32 v50, v23;
	v24 =	vadd.f32 v24, v25  }
0x173: {  	v57 =	vld.idx.msk [tilespmem:v32+s16+$0x0], $0xffff;
	v58 =	vor.u32 $0x60, v28;
	vm5 =	vgt.s32 v33, $0x0  }
0x174: {  	v60 =	vld [tilespmem:s21+$0x2800];
	v22 =	vmul.f32 v52, v22;
	v59 =	vnsel vm5, $0x0, v33;
	v23 =	vadd.f32 v23, v24  }
0x175: {  	v61 =	vld.idx.msk [tilespmem:v31+s16+$0x0], $0xffff;
	vm6 =	vgt.s32 v53, $0x0;
	v28 =	vmin.u32 v59, $0x19  }
0x176: {  	v63 =	vld [tilespmem:s21+$0x2A00];
	v62 =	vnsel vm6, $0x0, v53;
	v28 =	vor.u32 $0x80, v28;
	v22 =	vadd.f32 v22, v23  }
0x177: {  	vm7 =	vgt.s32 v56, $0x0;
	v35 =	vmin.u32 v62, $0x19;
	v23 =	vld.idx.msk [tilespmem:v26+s16+$0x0], $0xffff  }
0x178: {  	v36 =	vld [tilespmem:s21+$0x2C00];
	v29 =	vnsel vm7, $0x0, v56;
	v26 =	vor.u32 $0xA0, v35;
	v22 =	vadd.f32 v57, v22  }
0x179: {  	v37 =	vld.idx.msk [tilespmem:v58+s16+$0x0], $0xffff;
	vm8 =	vgt.s32 v60, $0x0;
	v38 =	vmin.u32 v29, $0x19  }
0x17a: {  	v40 =	vld [tilespmem:s21+$0x2E00];
	v39 =	vnsel vm8, $0x0, v60;
	v27 =	vor.u32 $0xC0, v38;
	v22 =	vadd.f32 v61, v22  }
0x17b: {  	vm9 =	vgt.s32 v63, $0x0;
	v42 =	vmin.u32 v39, $0x19;
	v41 =	vld.idx.msk [tilespmem:v28+s16+$0x0], $0xffff  }
0x17c: {  	v44 =	vld [tilespmem:s21+$0x3000];
	v43 =	vnsel vm9, $0x0, v63;
	v28 =	vor.u32 $0xE0, v42;
	v22 =	vadd.f32 v23, v22  }
0x17d: {  	vm10 =	vgt.s32 v36, $0x0;
	v45 =	vmin.u32 v43, $0x19;
	v23 =	vld.idx.msk [tilespmem:v26+s16+$0x0], $0xffff  }
0x17e: {  	v47 =	vld [tilespmem:s21+$0x3200];
	v46 =	vnsel vm10, $0x0, v36;
	v26 =	vor.u32 $0x100, v45;
	v22 =	vadd.f32 v37, v22  }
0x17f: {  	vm11 =	vgt.s32 v40, $0x0;
	v49 =	vmin.u32 v46, $0x19;
	v48 =	vld.idx.msk [tilespmem:v27+s16+$0x0], $0xffff  }
0x180: {  	v51 =	vld [tilespmem:s21+$0x3400];
	v50 =	vnsel vm11, $0x0, v40;
	v27 =	vor.u32 $0x120, v49;
	v22 =	vadd.f32 v41, v22  }
0x181: {  	vm12 =	vgt.s32 v44, $0x0;
	v53 =	vmin.u32 v50, $0x19;
	v52 =	vld.idx.msk [tilespmem:v28+s16+$0x0], $0xffff  }
0x182: {  	v55 =	vld [tilespmem:s21+$0x3600];
	v54 =	vnsel vm12, $0x0, v44;
	v28 =	vor.u32 $0x140, v53;
	v22 =	vadd.f32 v23, v22  }
0x183: {  	vm13 =	vgt.s32 v47, $0x0;
	v56 =	vmin.u32 v54, $0x19;
	v23 =	vld.idx.msk [tilespmem:v26+s16+$0x0], $0xffff  }
0x184: {  	v58 =	vld [tilespmem:s21+$0x3800];
	v57 =	vnsel vm13, $0x0, v47;
	v26 =	vor.u32 $0x160, v56;
	v22 =	vadd.f32 v48, v22  }
0x185: {  	vm14 =	vgt.s32 v51, $0x0;
	v60 =	vmin.u32 v57, $0x19;
	v59 =	vld.idx.msk [tilespmem:v27+s16+$0x0], $0xffff  }
0x186: {  	v62 =	vld [tilespmem:s21+$0x3A00];
	v61 =	vnsel vm14, $0x0, v51;
	v27 =	vor.u32 $0x180, v60;
	v22 =	vadd.f32 v52, v22  }
0x187: {  	vm15 =	vgt.s32 v55, $0x0;
	v35 =	vmin.u32 v61, $0x19;
	v63 =	vld.idx.msk [tilespmem:v28+s16+$0x0], $0xffff  }
0x188: {  	v36 =	vnsel vm15, $0x0, v55;
	v37 =	vld [tilespmem:s21+$0x3C00];
	v28 =	vor.u32 $0x1A0, v35;
	v22 =	vadd.f32 v23, v22  }
0x189: {  	v38 =	vmin.u32 v36, $0x19;
	vm4 =	vgt.s32 v58, $0x0;
	v23 =	vld.idx.msk [tilespmem:v26+s16+$0x0], $0xffff  }
0x18a: {  	v40 =	vld [tilespmem:s21+$0x3E00];
	v39 =	vnsel vm4, $0x0, v58;
	v26 =	vor.u32 $0x1C0, v38;
	v22 =	vadd.f32 v59, v22  }
0x18b: {  	vm5 =	vgt.s32 v62, $0x0;
	v42 =	vmin.u32 v39, $0x19;
	v41 =	vld.idx.msk [tilespmem:v27+s16+$0x0], $0xffff  }
0x18c: {  	v44 =	vld [tilespmem:s21+$0x4000];
	v43 =	vnsel vm5, $0x0, v62;
	v27 =	vor.u32 $0x1E0, v42;
	v22 =	vadd.f32 v63, v22  }
0x18d: {  	v46 =	vmin.u32 v43, $0x19;
	vm6 =	vgt.s32 v37, $0x0;
	v45 =	vld.idx.msk [tilespmem:v28+s16+$0x0], $0xffff  }
0x18e: {  	v47 =	vnsel vm6, $0x0, v37;
	v48 =	vld [tilespmem:s21+$0x4200];
	v28 =	vor.u32 $0x200, v46;
	v22 =	vadd.f32 v23, v22  }
0x18f: {  	vm7 =	vgt.s32 v40, $0x0;
	v49 =	vmin.u32 v47, $0x19;
	v23 =	vld.idx.msk [tilespmem:v26+s16+$0x0], $0xffff  }
0x190: {  	v50 =	vnsel vm7, $0x0, v40;
	v51 =	vld [tilespmem:s21+$0x4400];
	v26 =	vor.u32 $0x220, v49;
	v22 =	vadd.f32 v41, v22  }
0x191: {  	vm8 =	vgt.s32 v44, $0x0;
	v53 =	vmin.u32 v50, $0x19;
	v52 =	vld.idx.msk [tilespmem:v27+s16+$0x0], $0xffff  }
0x192: {  	v55 =	vld [tilespmem:s21+$0x4600];
	v54 =	vnsel vm8, $0x0, v44;
	v27 =	vor.u32 $0x240, v53;
	v22 =	vadd.f32 v45, v22  }
0x193: {  	v57 =	vmin.u32 v54, $0x19;
	vm9 =	vgt.s32 v48, $0x0;
	v56 =	vld.idx.msk [tilespmem:v28+s16+$0x0], $0xffff  }
0x194: {  	v58 =	vnsel vm9, $0x0, v48;
	v59 =	vld [tilespmem:s21+$0x4800];
	v28 =	vor.u32 $0x260, v57;
	v22 =	vadd.f32 v23, v22  }
0x195: {  	vm10 =	vgt.s32 v51, $0x0;
	v60 =	vmin.u32 v58, $0x19;
	v23 =	vld.idx.msk [tilespmem:v26+s16+$0x0], $0xffff  }
0x196: {  	v62 =	vld [tilespmem:s21+$0x4A00];
	v61 =	vnsel vm10, $0x0, v51;
	v26 =	vor.u32 $0x280, v60;
	v22 =	vadd.f32 v52, v22  }
0x197: {  	vm11 =	vgt.s32 v55, $0x0;
	v35 =	vmin.u32 v61, $0x19;
	v63 =	vld.idx.msk [tilespmem:v27+s16+$0x0], $0xffff  }
0x198: {  	v36 =	vnsel vm11, $0x0, v55;
	v37 =	vld [tilespmem:s21+$0x4C00];
	v27 =	vor.u32 $0x2A0, v35;
	v22 =	vadd.f32 v56, v22  }
0x199: {  	v39 =	vmin.u32 v36, $0x19;
	vm12 =	vgt.s32 v59, $0x0;
	v38 =	vld.idx.msk [tilespmem:v28+s16+$0x0], $0xffff  }
0x19a: {  	v40 =	vnsel vm12, $0x0, v59;
	v41 =	vld [tilespmem:s21+$0x4E00];
	v28 =	vor.u32 $0x2C0, v39;
	v22 =	vadd.f32 v23, v22  }
0x19b: {  	vm13 =	vgt.s32 v62, $0x0;
	v42 =	vmin.u32 v40, $0x19;
	v23 =	vld.idx.msk [tilespmem:v26+s16+$0x0], $0xffff  }
0x19c: {  	v44 =	vld [tilespmem:s21+$0x5000];
	v43 =	vnsel vm13, $0x0, v62;
	v26 =	vor.u32 $0x2E0, v42;
	v22 =	vadd.f32 v63, v22  }
0x19d: {  	v46 =	vmin.u32 v43, $0x19;
	vm14 =	vgt.s32 v37, $0x0;
	v45 =	vld.idx.msk [tilespmem:v27+s16+$0x0], $0xffff  }
0x19e: {  	v47 =	vnsel vm14, $0x0, v37;
	v48 =	vld [tilespmem:s21+$0x5200];
	v27 =	vor.u32 $0x300, v46;
	v22 =	vadd.f32 v38, v22  }
0x19f: {  	v50 =	vmin.u32 v47, $0x19;
	vm15 =	vgt.s32 v41, $0x0;
	v49 =	vld.idx.msk [tilespmem:v28+s16+$0x0], $0xffff  }
0x1a0: {  	v51 =	vnsel vm15, $0x0, v41;
	v52 =	vld [tilespmem:s21+$0x5400];
	v28 =	vor.u32 $0x320, v50;
	v22 =	vadd.f32 v23, v22  }
0x1a1: {  	vm4 =	vgt.s32 v44, $0x0;
	v53 =	vmin.u32 v51, $0x7;
	v23 =	vld.idx.msk [tilespmem:v26+s16+$0x0], $0xffff  }
0x1a2: {  	v55 =	vld [tilespmem:s21+$0x5600];
	v54 =	vnsel vm4, $0x0, v44;
	v26 =	vadd.s32 $0x35AD, v53;
	v22 =	vadd.f32 v45, v22  }
0x1a3: {  	v57 =	vmin.u32 v54, $0x7;
	vm5 =	vgt.s32 v48, $0x0;
	v56 =	vld.idx.msk [tilespmem:v27+s16+$0x0], $0xffff  }
0x1a4: {  	v58 =	vnsel vm5, $0x0, v48;
	v59 =	vld [tilespmem:s21+$0x5800];
	v27 =	vadd.s32 $0x35B5, v57;
	v22 =	vadd.f32 v49, v22  }
0x1a5: {  	v61 =	vmin.u32 v58, $0x7;
	vm6 =	vgt.s32 v52, $0x0;
	v60 =	vld.idx.msk [tilespmem:v28+s16+$0x0], $0xffff  }
0x1a6: {  	v62 =	vnsel vm6, $0x0, v52;
	v63 =	vld [tilespmem:s21+$0x5A00];
	v28 =	vadd.s32 $0x35BD, v61;
	v22 =	vadd.f32 v23, v22  }
0x1a7: {  	vm7 =	vgt.s32 v55, $0x0;
	v35 =	vmin.u32 v62, $0x7;
	v23 =	vld.idx.msk [tilespmem:v26+s9+$0x0], $0xffff  }
0x1a8: {  	v36 =	vnsel vm7, $0x0, v55;
	v37 =	vld [tilespmem:s21+$0x5C00];
	v26 =	vadd.s32 $0x35C5, v35;
	v22 =	vadd.f32 v56, v22  }
0x1a9: {  	v39 =	vmin.u32 v36, $0x7;
	vm8 =	vgt.s32 v59, $0x0;
	v38 =	vld.idx.msk [tilespmem:v27+s9+$0x0], $0xffff  }
0x1aa: {  	v40 =	vnsel vm8, $0x0, v59;
	v41 =	vld [tilespmem:s21+$0x5E00];
	v27 =	vadd.s32 $0x35CD, v39;
	v22 =	vadd.f32 v60, v22  }
0x1ab: {  	v43 =	vmin.u32 v40, $0x7;
	vm9 =	vgt.s32 v63, $0x0;
	v42 =	vld.idx.msk [tilespmem:v28+s9+$0x0], $0xffff  }
0x1ac: {  	v28 =	vadd.s32 $0x35D5, v43;
	v44 =	vnsel vm9, $0x0, v63;
	v45 =	vld [tilespmem:s21+$0x6000];
	v22 =	vadd.f32 v23, v22  }
0x1ad: {  	vm10 =	vgt.s32 v37, $0x0;
	v46 =	vmin.u32 v44, $0x7;
	v23 =	vld.idx.msk [tilespmem:v26+s9+$0x0], $0xffff  }
0x1ae: {  	v47 =	vnsel vm10, $0x0, v37;
	v48 =	vld [tilespmem:s21+$0x6200];
	v26 =	vadd.s32 $0x35DD, v46;
	v22 =	vadd.f32 v38, v22  }
0x1af: {  	v50 =	vmin.u32 v47, $0x7;
	vm11 =	vgt.s32 v41, $0x0;
	v49 =	vld.idx.msk [tilespmem:v27+s9+$0x0], $0xffff  }
0x1b0: {  	v51 =	vnsel vm11, $0x0, v41;
	v52 =	vld [tilespmem:s21+$0x6400];
	v27 =	vadd.s32 $0x35E5, v50;
	v22 =	vadd.f32 v42, v22  }
0x1b1: {  	v54 =	vmin.u32 v51, $0x7;
	v53 =	vld.idx.msk [tilespmem:v28+s9+$0x0], $0xffff;
	vm12 =	vgt.s32 v45, $0x0  }
0x1b2: {  	v55 =	vld [tilespmem:s21+$0x6600];
	v28 =	vadd.s32 $0x35ED, v54;
	v32 =	vnsel vm12, $0x0, v45;
	v22 =	vadd.f32 v23, v22  }
0x1b3: {  	vm13 =	vgt.s32 v48, $0x0;
	v56 =	vmin.u32 v32, $0x7;
	v23 =	vld.idx.msk [tilespmem:v26+s9+$0x0], $0xffff  }
0x1b4: {  	v31 =	vnsel vm13, $0x0, v48;
	v26 =	vadd.s32 $0x35F5, v56;
	v22 =	vadd.f32 v49, v22  }
0x1b5: {  	v58 =	vmin.u32 v31, $0x7;
	vm14 =	vgt.s32 v52, $0x0;
	v57 =	vld.idx.msk [tilespmem:v27+s9+$0x0], $0xffff  }
0x1b6: {  	v30 =	vnsel vm14, $0x0, v52;
	v27 =	vadd.s32 $0x35FD, v58;
	v22 =	vadd.f32 v53, v22  }
0x1b7: {  	vm15 =	vgt.s32 v55, $0x0;
	v60 =	vmin.u32 v30, $0x7;
	v59 =	vld.idx.msk [tilespmem:v28+s9+$0x0], $0xffff  }
0x1b8: {  	v29 =	vnsel vm15, $0x0, v55;
	v28 =	vadd.s32 $0x3605, v60;
	v22 =	vadd.f32 v23, v22  }
0x1b9: {  	v61 =	vmin.u32 v29, $0x7;
	v23 =	vld.idx.msk [tilespmem:v26+s9+$0x0], $0xffff  }
0x1ba: {  	v26 =	vadd.s32 $0x360D, v61;
	v22 =	vadd.f32 v57, v22  }
0x1bb: {  	v62 =	vld.idx.msk [tilespmem:v27+s9+$0x0], $0xffff  }
0x1bc: {  	v22 =	vadd.f32 v59, v22  }
0x1bd: {  	v63 =	vld.idx.msk [tilespmem:v28+s9+$0x0], $0xffff  }
0x1be: {  	v22 =	vadd.f32 v23, v22  }
0x1bf: {  	v23 =	vld.idx.msk [tilespmem:v26+s9+$0x0], $0xffff  }
0x1c0: {  	v22 =	vadd.f32 v62, v22;
	_ =	sdelay $0x1  }
0x1c1: {  	v22 =	vadd.f32 v63, v22;
	_ =	sdelay $0x1  }
0x1c2: {  	s19 =	sadd.s32 $0x1, s19;
	v22 =	vadd.f32 v23, v22  }
0x1c3: {  	p0 =	sne.s32 s19, s8  }
.Ltmp2:
0x1c4: {  	[tilespmem:s21+$0xA158] =	vst v22;
	(pc) =	sbr.rel @p0 .LBB2_1-.Ltmp2, $4  }
0x1c5: {  	[hbm4b:s7+s2] =	stream.linear.scatter [tilespmem:s17], [sflag:$0x3], $0x200, $0x38;
	[tilespmem:$0xA358] =	vst v63  }
0x1c6: {  	_ =	swait.ge [sflag:s18], $0x200  }
0x1c7: {  	[sflag:s18] =	ssyncset.done $0x0  }
0x1c8: {  	[sflag:s18] =	ssyncadd.s32 $0xFFFFFE00  }
0x1c9: {  	_ =	sfence.sel $0x180000  }
0x1ca: {  	[bflag:$0x0] =	sbarrier.arrive $0xFFFF  }
0x1cb: {  	p0 =	sne.s32 s1, $0x0;
	_ =	strace $0x90000047  }
0x1cc: {  	s0 =	sadd.s32 @!p0 $0x100000, s0;
	[bflag:$0x2] =	sbarrier.arrive $0xFFFF  }
0x1cd: {  	[sflag:s0] =	ssyncadd.tile.s32 @!p0 $0x1;
	_ =	shalt  }
.Lfunc_end2:
_tile_overlayer_lowered:
.L_overlay_start_2:
0x1ce: {  	(tag) =	ssettag $0x2  }
0x1cf: {  	s0 =	rddreg [dreg:$0x0];
	s2 =	stileid.u32  }
0x1d0: {  	s1 =	rddreg [dreg:$0x1];
	p0 =	sne.s32 s2, $0x0  }
0x1d1: {  	s3 =	rddreg [dreg:$0x2];
	[bflag:$0x3] =	sbarrier.arrive $0xFFFF;
	s2 =	simm.s32 @!p0 $0x1C03  }
0x1d2: {  	[timem:s3], [sflag:s2] =	dma.local @!p0 [hbm:s0], s1  }
0x1d3: {  	s0 =	simm.s32 @!p0 $0x3  }
0x1d4: {  	_ =	swait.ge @!p0 [sflag:s0], s1  }
0x1d5: {  	s1 =	ssub.s32 @!p0 $0x0, s1;
	[sflag:s0] =	ssyncset.done @!p0 $0x0  }
0x1d6: {  	[sflag:s0] =	ssyncadd.s32 @!p0 s1  }
0x1d7: {  	[bflag:$0x3] =	sbarrier.arrive $0xFFFF  }
0x1d8: {  	_ =	shalt  }

</sc_bundles>
